<compile_context>
chip_gen: v7x
topology: tpu7x:2x2x1
jax: 0.10.2.dev20260603
libtpu: 0.0.44.dev20260713+nightly
codegen_flags: <defaults>
</compile_context>

<pallas_src>
import functools

import jax
import jax.numpy as jnp
from jax import lax
from jax.experimental import pallas as pl
from jax.experimental.pallas import tpu as pltpu
from jax.experimental.pallas import tpu_sc as plsc

_NUM_USERS = 100000
_LANES = 16
_IDX_CHUNK = 128


@functools.cache
def _build_fm_kernel(batch: int, num_features: int, embed_dim: int):
  info = plsc.get_sparse_core_info()
  num_workers = info.num_cores * info.num_subcores
  bpw = batch // num_workers
  assert batch % (8 * num_workers) == 0
  assert embed_dim % _LANES == 0
  n_chunks = bpw // _IDX_CHUNK
  n_groups = bpw // _LANES
  d_vecs = embed_dim // _LANES

  mesh = plsc.VectorSubcoreMesh(core_axis_name="c", subcore_axis_name="s")

  @functools.partial(
      pl.kernel,
      out_type=jax.ShapeDtypeStruct((batch,), jnp.float32),
      mesh=mesh,
      compiler_params=pltpu.CompilerParams(
          needs_layout_passes=False, use_tc_tiling_on_sc=False),
      scratch_types=[
          pltpu.VMEM((bpw,), jnp.int32),
          pltpu.VMEM((bpw,), jnp.int32),
          pltpu.VMEM((bpw, embed_dim), jnp.float32),
          pltpu.VMEM((bpw, embed_dim), jnp.float32),
          pltpu.VMEM((bpw,), jnp.float32),
          pltpu.VMEM((bpw,), jnp.float32),
          pltpu.VMEM((_LANES,), jnp.float32),
          pltpu.VMEM((_LANES * _LANES,), jnp.float32),
          pltpu.VMEM((bpw,), jnp.float32),
          pltpu.SemaphoreType.DMA,
      ],
  )
  def fm(uid_hbm, iid_hbm, bias_hbm, lw_hbm, emb_hbm, out_hbm,
         uidx_v, iidx_v, rows_u, rows_i, lwu_v, lwi_v, bias_v, sums_v,
         out_v, sem):
    wid = lax.axis_index("s") * info.num_cores + lax.axis_index("c")
    base = wid * bpw

    pltpu.sync_copy(uid_hbm.at[pl.ds(base, bpw)], uidx_v)
    pltpu.sync_copy(iid_hbm.at[pl.ds(base, bpw)], iidx_v)
    pltpu.sync_copy(bias_hbm, bias_v)

    for k in range(bpw // _LANES):
      sl = pl.ds(k * _LANES, _LANES)
      iidx_v[sl] = iidx_v[sl] + _NUM_USERS

    copies = []
    for c in range(n_chunks):
      sl = pl.ds(c * _IDX_CHUNK, _IDX_CHUNK)
      copies.append(
          pltpu.async_copy(emb_hbm.at[uidx_v.at[sl]], rows_u.at[sl], sem))
      copies.append(
          pltpu.async_copy(emb_hbm.at[iidx_v.at[sl]], rows_i.at[sl], sem))
      copies.append(
          pltpu.async_copy(lw_hbm.at[uidx_v.at[sl]], lwu_v.at[sl], sem))
      copies.append(
          pltpu.async_copy(lw_hbm.at[iidx_v.at[sl]], lwi_v.at[sl], sem))
    for cp in copies:
      cp.wait()

    lane = lax.iota(jnp.int32, _LANES)
    bias_vec = bias_v[pl.ds(0, _LANES)]

    def group_body(g, _):
      for j in range(_LANES):
        r = g * _LANES + j
        s = None
        for k in range(d_vecs):
          dsl = pl.ds(k * _LANES, _LANES)
          p = rows_u[r, dsl] * rows_i[r, dsl]
          s = p if s is None else s + p
        sums_v[pl.ds(j * _LANES, _LANES)] = s
      gsl = pl.ds(g * _LANES, _LANES)
      acc = bias_vec + lwu_v[gsl] + lwi_v[gsl]
      row_base = lane * _LANES
      for c in range(_LANES):
        acc = acc + plsc.load_gather(sums_v, [row_base + c])
      out_v[gsl] = acc
      return _

    lax.fori_loop(0, n_groups, group_body, None)
    pltpu.sync_copy(out_v, out_hbm.at[pl.ds(base, bpw)])

  return fm


def kernel(user_ids, item_ids, global_bias, linear_weights, embeddings):
  batch = user_ids.shape[0]
  num_features, embed_dim = embeddings.shape
  lw_flat = linear_weights.reshape(num_features)
  bias16 = jnp.broadcast_to(global_bias.astype(jnp.float32), (_LANES,))
  fm = _build_fm_kernel(batch, num_features, embed_dim)
  out = fm(user_ids.astype(jnp.int32), item_ids.astype(jnp.int32),
           bias16, lw_flat, embeddings)
  return out.reshape(batch, 1)

# --- scband reference (transcript-rebuilt; emitter-appended) ---
"""Pipeline reference for scband-model-45019847197187 (READ-ONLY COPY).

The authoritative reference and input builder live on the scoring server;
editing this copy changes nothing except your own understanding.
"""

import jax, jax.numpy as jnp
import numpy as np

NUM_USERS = 100000
NUM_ITEMS = 100000
NUM_FEATURES = NUM_USERS + NUM_ITEMS
EMBED_DIM = 64
BATCH = 16384


def setup_inputs(seed: int = 0) -> dict:
    key = jax.random.key(seed)
    k1, k2, k3, k4 = jax.random.split(key, 4)
    user_ids = jax.random.randint(k1, (BATCH,), 0, NUM_USERS, dtype=jnp.int64 if jax.config.jax_enable_x64 else jnp.int32).astype(jnp.int32)
    item_ids = jax.random.randint(k2, (BATCH,), 0, NUM_ITEMS).astype(jnp.int32)
    global_bias = jnp.zeros((1,), dtype=jnp.float32)
    linear_weights = jax.random.normal(k3, (NUM_FEATURES, 1), dtype=jnp.float32) * 0.01
    embeddings = jax.random.normal(k4, (NUM_FEATURES, EMBED_DIM), dtype=jnp.float32) * 0.01
    return {
        "user_ids": user_ids,
        "item_ids": item_ids,
        "global_bias": global_bias,
        "linear_weights": linear_weights,
        "embeddings": embeddings,
    }


def reference(user_ids, item_ids, global_bias, linear_weights, embeddings):
    batch_size = user_ids.shape[0]
    item_feature_ids = item_ids + NUM_USERS
    feature_ids = jnp.stack([user_ids, item_feature_ids], axis=1)  # [B, 2]
    # linear part
    linear_part = jnp.broadcast_to(global_bias, (batch_size, 1))
    lw = jnp.take(linear_weights, feature_ids, axis=0)  # [B, 2, 1]
    linear_part = linear_part + jnp.sum(lw, axis=1)  # [B, 1]
    # interaction part (factorization machine pairwise term)
    emb = jnp.take(embeddings, feature_ids, axis=0)  # [B, 2, D]
    sum_square = jnp.sum(emb, axis=1) ** 2  # [B, D]
    square_sum = jnp.sum(emb ** 2, axis=1)  # [B, D]
    interaction_part = 0.5 * jnp.sum(sum_square - square_sum, axis=1, keepdims=True)  # [B, 1]
    return linear_part + interaction_part

if __name__ == "__main__":
    import jax
    _d = setup_inputs()
    print(jax.jit(kernel)(*tuple(_d.values())))

</pallas_src>

<mosaic_0001>
#map = affine_map<(d0, d1) -> (0)>
#map1 = affine_map<(d0, d1) -> (0, 0)>
module attributes {stable_mosaic.version = 14 : i64} {
  func.func @fm(%arg0: i32, %arg1: i32, %arg2: memref<16384xi32, #tpu.memory_space<hbm>>, %arg3: memref<16384xi32, #tpu.memory_space<hbm>>, %arg4: memref<16xf32, #tpu.memory_space<hbm>>, %arg5: memref<200000xf32, #tpu.memory_space<hbm>>, %arg6: memref<200000x64xf32, #tpu.memory_space<hbm>>, %arg7: memref<16384xf32, #tpu.memory_space<hbm>>, %arg8: memref<512xi32, #tpu.memory_space<vmem>>, %arg9: memref<512xi32, #tpu.memory_space<vmem>>, %arg10: memref<512x64xf32, #tpu.memory_space<vmem>>, %arg11: memref<512x64xf32, #tpu.memory_space<vmem>>, %arg12: memref<512xf32, #tpu.memory_space<vmem>>, %arg13: memref<512xf32, #tpu.memory_space<vmem>>, %arg14: memref<16xf32, #tpu.memory_space<vmem>>, %arg15: memref<256xf32, #tpu.memory_space<vmem>>, %arg16: memref<512xf32, #tpu.memory_space<vmem>>, %arg17: memref<!tpu.dma_semaphore, #tpu.memory_space<semaphore_mem>>) attributes {dimension_semantics = [#tpu.dimension_semantics<core_parallel>, #tpu.dimension_semantics<subcore_parallel>], iteration_bounds = array<i64: 2, 16>, scalar_prefetch = 0 : i64, scratch_operands = 10 : i64, tpu.core_type = #tpu.core_type<sc_vector_subcore>, window_params = [{transform_indices = #map}, {transform_indices = #map}, {transform_indices = #map}, {transform_indices = #map}, {transform_indices = #map1}, {transform_indices = #map}]} {
    %mul3A = arith.constant 2 : i32
    %mul3A_0 = arith.muli %arg1, %mul3A : i32
    %add3A = arith.addi %mul3A_0, %arg0 : i32
    %mul3A_1 = arith.constant 512 : i32
    %mul3A_2 = arith.muli %add3A, %mul3A_1 : i32
    "tpu.region"() ({
      %run_scoped3A = tpu.sem_alloc : memref<!tpu.dma_semaphore, #tpu.memory_space<semaphore_mem>>
      %dma_start3A_453 = tpu.memref_slice %arg2[%mul3A_2] : memref<16384xi32, #tpu.memory_space<hbm>> -> memref<512xi32, #tpu.memory_space<hbm>>
      %dma_start3A_454 = tpu.memref_slice %arg2[%mul3A_2] : memref<16384xi32, #tpu.memory_space<hbm>> -> memref<512xi32, #tpu.memory_space<hbm>>
      tpu.enqueue_dma source(%dma_start3A_454 : memref<512xi32, #tpu.memory_space<hbm>>) target(%arg8 : memref<512xi32, #tpu.memory_space<vmem>>) target_semaphore(%run_scoped3A : memref<!tpu.dma_semaphore, #tpu.memory_space<semaphore_mem>>)
      %dma_wait3A_455 = tpu.memref_slice %arg2[%mul3A_2] : memref<16384xi32, #tpu.memory_space<hbm>> -> memref<512xi32, #tpu.memory_space<hbm>>
      %dma_wait3A_456 = tpu.memref_slice %arg2[%mul3A_2] : memref<16384xi32, #tpu.memory_space<hbm>> -> memref<512xi32, #tpu.memory_space<hbm>>
      tpu.wait_dma2 semaphore(%run_scoped3A : memref<!tpu.dma_semaphore, #tpu.memory_space<semaphore_mem>>) src(%dma_wait3A_456 : memref<512xi32, #tpu.memory_space<hbm>>) dst(%arg8 : memref<512xi32, #tpu.memory_space<vmem>>)
      tpu.yield
    }) : () -> ()
    "tpu.region"() ({
      %run_scoped3A = tpu.sem_alloc : memref<!tpu.dma_semaphore, #tpu.memory_space<semaphore_mem>>
      %dma_start3A_453 = tpu.memref_slice %arg3[%mul3A_2] : memref<16384xi32, #tpu.memory_space<hbm>> -> memref<512xi32, #tpu.memory_space<hbm>>
      %dma_start3A_454 = tpu.memref_slice %arg3[%mul3A_2] : memref<16384xi32, #tpu.memory_space<hbm>> -> memref<512xi32, #tpu.memory_space<hbm>>
      tpu.enqueue_dma source(%dma_start3A_454 : memref<512xi32, #tpu.memory_space<hbm>>) target(%arg9 : memref<512xi32, #tpu.memory_space<vmem>>) target_semaphore(%run_scoped3A : memref<!tpu.dma_semaphore, #tpu.memory_space<semaphore_mem>>)
      %dma_wait3A_455 = tpu.memref_slice %arg3[%mul3A_2] : memref<16384xi32, #tpu.memory_space<hbm>> -> memref<512xi32, #tpu.memory_space<hbm>>
      %dma_wait3A_456 = tpu.memref_slice %arg3[%mul3A_2] : memref<16384xi32, #tpu.memory_space<hbm>> -> memref<512xi32, #tpu.memory_space<hbm>>
      tpu.wait_dma2 semaphore(%run_scoped3A : memref<!tpu.dma_semaphore, #tpu.memory_space<semaphore_mem>>) src(%dma_wait3A_456 : memref<512xi32, #tpu.memory_space<hbm>>) dst(%arg9 : memref<512xi32, #tpu.memory_space<vmem>>)
      tpu.yield
    }) : () -> ()
    "tpu.region"() ({
      %run_scoped3A = tpu.sem_alloc : memref<!tpu.dma_semaphore, #tpu.memory_space<semaphore_mem>>
      tpu.enqueue_dma source(%arg4 : memref<16xf32, #tpu.memory_space<hbm>>) target(%arg14 : memref<16xf32, #tpu.memory_space<vmem>>) target_semaphore(%run_scoped3A : memref<!tpu.dma_semaphore, #tpu.memory_space<semaphore_mem>>)
      tpu.wait_dma2 semaphore(%run_scoped3A : memref<!tpu.dma_semaphore, #tpu.memory_space<semaphore_mem>>) src(%arg4 : memref<16xf32, #tpu.memory_space<hbm>>) dst(%arg14 : memref<16xf32, #tpu.memory_space<vmem>>)
      tpu.yield
    }) : () -> ()
    %get3A = arith.constant 0 : index
    %get3A_3 = tpu.vector_load %arg9[%get3A] {strides = array<i32>} : memref<512xi32, #tpu.memory_space<vmem>>, vector<16xi32>,
    %add3A_4 = arith.constant 100000 : i32
    %add3A_5 = vector.broadcast %add3A_4 : i32 to vector<16xi32>
    %add3A_6 = arith.addi %get3A_3, %add3A_5 : vector<16xi32>
    %swap3A = arith.constant 0 : index
    %swap3A_7 = tpu.vector_load %arg9[%swap3A] {strides = array<i32>} : memref<512xi32, #tpu.memory_space<vmem>>, vector<16xi32>,
    tpu.vector_store %arg9[%swap3A], %add3A_6 {strides = array<i32>} : memref<512xi32, #tpu.memory_space<vmem>>, vector<16xi32>,
    %get3A_8 = arith.constant 16 : index
    %get3A_9 = tpu.vector_load %arg9[%get3A_8] {strides = array<i32>} : memref<512xi32, #tpu.memory_space<vmem>>, vector<16xi32>,
    %add3A_10 = arith.constant 100000 : i32
    %add3A_11 = vector.broadcast %add3A_10 : i32 to vector<16xi32>
    %add3A_12 = arith.addi %get3A_9, %add3A_11 : vector<16xi32>
    %swap3A_13 = arith.constant 16 : index
    %swap3A_14 = tpu.vector_load %arg9[%swap3A_13] {strides = array<i32>} : memref<512xi32, #tpu.memory_space<vmem>>, vector<16xi32>,
    tpu.vector_store %arg9[%swap3A_13], %add3A_12 {strides = array<i32>} : memref<512xi32, #tpu.memory_space<vmem>>, vector<16xi32>,
    %get3A_15 = arith.constant 32 : index
    %get3A_16 = tpu.vector_load %arg9[%get3A_15] {strides = array<i32>} : memref<512xi32, #tpu.memory_space<vmem>>, vector<16xi32>,
    %add3A_17 = arith.constant 100000 : i32
    %add3A_18 = vector.broadcast %add3A_17 : i32 to vector<16xi32>
    %add3A_19 = arith.addi %get3A_16, %add3A_18 : vector<16xi32>
    %swap3A_20 = arith.constant 32 : index
    %swap3A_21 = tpu.vector_load %arg9[%swap3A_20] {strides = array<i32>} : memref<512xi32, #tpu.memory_space<vmem>>, vector<16xi32>,
    tpu.vector_store %arg9[%swap3A_20], %add3A_19 {strides = array<i32>} : memref<512xi32, #tpu.memory_space<vmem>>, vector<16xi32>,
    %get3A_22 = arith.constant 48 : index
    %get3A_23 = tpu.vector_load %arg9[%get3A_22] {strides = array<i32>} : memref<512xi32, #tpu.memory_space<vmem>>, vector<16xi32>,
    %add3A_24 = arith.constant 100000 : i32
    %add3A_25 = vector.broadcast %add3A_24 : i32 to vector<16xi32>
    %add3A_26 = arith.addi %get3A_23, %add3A_25 : vector<16xi32>
    %swap3A_27 = arith.constant 48 : index
    %swap3A_28 = tpu.vector_load %arg9[%swap3A_27] {strides = array<i32>} : memref<512xi32, #tpu.memory_space<vmem>>, vector<16xi32>,
    tpu.vector_store %arg9[%swap3A_27], %add3A_26 {strides = array<i32>} : memref<512xi32, #tpu.memory_space<vmem>>, vector<16xi32>,
    %get3A_29 = arith.constant 64 : index
    %get3A_30 = tpu.vector_load %arg9[%get3A_29] {strides = array<i32>} : memref<512xi32, #tpu.memory_space<vmem>>, vector<16xi32>,
    %add3A_31 = arith.constant 100000 : i32
    %add3A_32 = vector.broadcast %add3A_31 : i32 to vector<16xi32>
    %add3A_33 = arith.addi %get3A_30, %add3A_32 : vector<16xi32>
    %swap3A_34 = arith.constant 64 : index
    %swap3A_35 = tpu.vector_load %arg9[%swap3A_34] {strides = array<i32>} : memref<512xi32, #tpu.memory_space<vmem>>, vector<16xi32>,
    tpu.vector_store %arg9[%swap3A_34], %add3A_33 {strides = array<i32>} : memref<512xi32, #tpu.memory_space<vmem>>, vector<16xi32>,
    %get3A_36 = arith.constant 80 : index
    %get3A_37 = tpu.vector_load %arg9[%get3A_36] {strides = array<i32>} : memref<512xi32, #tpu.memory_space<vmem>>, vector<16xi32>,
    %add3A_38 = arith.constant 100000 : i32
    %add3A_39 = vector.broadcast %add3A_38 : i32 to vector<16xi32>
    %add3A_40 = arith.addi %get3A_37, %add3A_39 : vector<16xi32>
    %swap3A_41 = arith.constant 80 : index
    %swap3A_42 = tpu.vector_load %arg9[%swap3A_41] {strides = array<i32>} : memref<512xi32, #tpu.memory_space<vmem>>, vector<16xi32>,
    tpu.vector_store %arg9[%swap3A_41], %add3A_40 {strides = array<i32>} : memref<512xi32, #tpu.memory_space<vmem>>, vector<16xi32>,
    %get3A_43 = arith.constant 96 : index
    %get3A_44 = tpu.vector_load %arg9[%get3A_43] {strides = array<i32>} : memref<512xi32, #tpu.memory_space<vmem>>, vector<16xi32>,
    %add3A_45 = arith.constant 100000 : i32
    %add3A_46 = vector.broadcast %add3A_45 : i32 to vector<16xi32>
    %add3A_47 = arith.addi %get3A_44, %add3A_46 : vector<16xi32>
    %swap3A_48 = arith.constant 96 : index
    %swap3A_49 = tpu.vector_load %arg9[%swap3A_48] {strides = array<i32>} : memref<512xi32, #tpu.memory_space<vmem>>, vector<16xi32>,
    tpu.vector_store %arg9[%swap3A_48], %add3A_47 {strides = array<i32>} : memref<512xi32, #tpu.memory_space<vmem>>, vector<16xi32>,
    %get3A_50 = arith.constant 112 : index
    %get3A_51 = tpu.vector_load %arg9[%get3A_50] {strides = array<i32>} : memref<512xi32, #tpu.memory_space<vmem>>, vector<16xi32>,
    %add3A_52 = arith.constant 100000 : i32
    %add3A_53 = vector.broadcast %add3A_52 : i32 to vector<16xi32>
    %add3A_54 = arith.addi %get3A_51, %add3A_53 : vector<16xi32>
    %swap3A_55 = arith.constant 112 : index
    %swap3A_56 = tpu.vector_load %arg9[%swap3A_55] {strides = array<i32>} : memref<512xi32, #tpu.memory_space<vmem>>, vector<16xi32>,
    tpu.vector_store %arg9[%swap3A_55], %add3A_54 {strides = array<i32>} : memref<512xi32, #tpu.memory_space<vmem>>, vector<16xi32>,
    %get3A_57 = arith.constant 128 : index
    %get3A_58 = tpu.vector_load %arg9[%get3A_57] {strides = array<i32>} : memref<512xi32, #tpu.memory_space<vmem>>, vector<16xi32>,
    %add3A_59 = arith.constant 100000 : i32
    %add3A_60 = vector.broadcast %add3A_59 : i32 to vector<16xi32>
    %add3A_61 = arith.addi %get3A_58, %add3A_60 : vector<16xi32>
    %swap3A_62 = arith.constant 128 : index
    %swap3A_63 = tpu.vector_load %arg9[%swap3A_62] {strides = array<i32>} : memref<512xi32, #tpu.memory_space<vmem>>, vector<16xi32>,
    tpu.vector_store %arg9[%swap3A_62], %add3A_61 {strides = array<i32>} : memref<512xi32, #tpu.memory_space<vmem>>, vector<16xi32>,
    %get3A_64 = arith.constant 144 : index
    %get3A_65 = tpu.vector_load %arg9[%get3A_64] {strides = array<i32>} : memref<512xi32, #tpu.memory_space<vmem>>, vector<16xi32>,
    %add3A_66 = arith.constant 100000 : i32
    %add3A_67 = vector.broadcast %add3A_66 : i32 to vector<16xi32>
    %add3A_68 = arith.addi %get3A_65, %add3A_67 : vector<16xi32>
    %swap3A_69 = arith.constant 144 : index
    %swap3A_70 = tpu.vector_load %arg9[%swap3A_69] {strides = array<i32>} : memref<512xi32, #tpu.memory_space<vmem>>, vector<16xi32>,
    tpu.vector_store %arg9[%swap3A_69], %add3A_68 {strides = array<i32>} : memref<512xi32, #tpu.memory_space<vmem>>, vector<16xi32>,
    %get3A_71 = arith.constant 160 : index
    %get3A_72 = tpu.vector_load %arg9[%get3A_71] {strides = array<i32>} : memref<512xi32, #tpu.memory_space<vmem>>, vector<16xi32>,
    %add3A_73 = arith.constant 100000 : i32
    %add3A_74 = vector.broadcast %add3A_73 : i32 to vector<16xi32>
    %add3A_75 = arith.addi %get3A_72, %add3A_74 : vector<16xi32>
    %swap3A_76 = arith.constant 160 : index
    %swap3A_77 = tpu.vector_load %arg9[%swap3A_76] {strides = array<i32>} : memref<512xi32, #tpu.memory_space<vmem>>, vector<16xi32>,
    tpu.vector_store %arg9[%swap3A_76], %add3A_75 {strides = array<i32>} : memref<512xi32, #tpu.memory_space<vmem>>, vector<16xi32>,
    %get3A_78 = arith.constant 176 : index
    %get3A_79 = tpu.vector_load %arg9[%get3A_78] {strides = array<i32>} : memref<512xi32, #tpu.memory_space<vmem>>, vector<16xi32>,
    %add3A_80 = arith.constant 100000 : i32
    %add3A_81 = vector.broadcast %add3A_80 : i32 to vector<16xi32>
    %add3A_82 = arith.addi %get3A_79, %add3A_81 : vector<16xi32>
    %swap3A_83 = arith.constant 176 : index
    %swap3A_84 = tpu.vector_load %arg9[%swap3A_83] {strides = array<i32>} : memref<512xi32, #tpu.memory_space<vmem>>, vector<16xi32>,
    tpu.vector_store %arg9[%swap3A_83], %add3A_82 {strides = array<i32>} : memref<512xi32, #tpu.memory_space<vmem>>, vector<16xi32>,
    %get3A_85 = arith.constant 192 : index
    %get3A_86 = tpu.vector_load %arg9[%get3A_85] {strides = array<i32>} : memref<512xi32, #tpu.memory_space<vmem>>, vector<16xi32>,
    %add3A_87 = arith.constant 100000 : i32
    %add3A_88 = vector.broadcast %add3A_87 : i32 to vector<16xi32>
    %add3A_89 = arith.addi %get3A_86, %add3A_88 : vector<16xi32>
    %swap3A_90 = arith.constant 192 : index
    %swap3A_91 = tpu.vector_load %arg9[%swap3A_90] {strides = array<i32>} : memref<512xi32, #tpu.memory_space<vmem>>, vector<16xi32>,
    tpu.vector_store %arg9[%swap3A_90], %add3A_89 {strides = array<i32>} : memref<512xi32, #tpu.memory_space<vmem>>, vector<16xi32>,
    %get3A_92 = arith.constant 208 : index
    %get3A_93 = tpu.vector_load %arg9[%get3A_92] {strides = array<i32>} : memref<512xi32, #tpu.memory_space<vmem>>, vector<16xi32>,
    %add3A_94 = arith.constant 100000 : i32
    %add3A_95 = vector.broadcast %add3A_94 : i32 to vector<16xi32>
    %add3A_96 = arith.addi %get3A_93, %add3A_95 : vector<16xi32>
    %swap3A_97 = arith.constant 208 : index
    %swap3A_98 = tpu.vector_load %arg9[%swap3A_97] {strides = array<i32>} : memref<512xi32, #tpu.memory_space<vmem>>, vector<16xi32>,
    tpu.vector_store %arg9[%swap3A_97], %add3A_96 {strides = array<i32>} : memref<512xi32, #tpu.memory_space<vmem>>, vector<16xi32>,
    %get3A_99 = arith.constant 224 : index
    %get3A_100 = tpu.vector_load %arg9[%get3A_99] {strides = array<i32>} : memref<512xi32, #tpu.memory_space<vmem>>, vector<16xi32>,
    %add3A_101 = arith.constant 100000 : i32
    %add3A_102 = vector.broadcast %add3A_101 : i32 to vector<16xi32>
    %add3A_103 = arith.addi %get3A_100, %add3A_102 : vector<16xi32>
    %swap3A_104 = arith.constant 224 : index
    %swap3A_105 = tpu.vector_load %arg9[%swap3A_104] {strides = array<i32>} : memref<512xi32, #tpu.memory_space<vmem>>, vector<16xi32>,
    tpu.vector_store %arg9[%swap3A_104], %add3A_103 {strides = array<i32>} : memref<512xi32, #tpu.memory_space<vmem>>, vector<16xi32>,
    %get3A_106 = arith.constant 240 : index
    %get3A_107 = tpu.vector_load %arg9[%get3A_106] {strides = array<i32>} : memref<512xi32, #tpu.memory_space<vmem>>, vector<16xi32>,
    %add3A_108 = arith.constant 100000 : i32
    %add3A_109 = vector.broadcast %add3A_108 : i32 to vector<16xi32>
    %add3A_110 = arith.addi %get3A_107, %add3A_109 : vector<16xi32>
    %swap3A_111 = arith.constant 240 : index
    %swap3A_112 = tpu.vector_load %arg9[%swap3A_111] {strides = array<i32>} : memref<512xi32, #tpu.memory_space<vmem>>, vector<16xi32>,
    tpu.vector_store %arg9[%swap3A_111], %add3A_110 {strides = array<i32>} : memref<512xi32, #tpu.memory_space<vmem>>, vector<16xi32>,
    %get3A_113 = arith.constant 256 : index
    %get3A_114 = tpu.vector_load %arg9[%get3A_113] {strides = array<i32>} : memref<512xi32, #tpu.memory_space<vmem>>, vector<16xi32>,
    %add3A_115 = arith.constant 100000 : i32
    %add3A_116 = vector.broadcast %add3A_115 : i32 to vector<16xi32>
    %add3A_117 = arith.addi %get3A_114, %add3A_116 : vector<16xi32>
    %swap3A_118 = arith.constant 256 : index
    %swap3A_119 = tpu.vector_load %arg9[%swap3A_118] {strides = array<i32>} : memref<512xi32, #tpu.memory_space<vmem>>, vector<16xi32>,
    tpu.vector_store %arg9[%swap3A_118], %add3A_117 {strides = array<i32>} : memref<512xi32, #tpu.memory_space<vmem>>, vector<16xi32>,
    %get3A_120 = arith.constant 272 : index
    %get3A_121 = tpu.vector_load %arg9[%get3A_120] {strides = array<i32>} : memref<512xi32, #tpu.memory_space<vmem>>, vector<16xi32>,
    %add3A_122 = arith.constant 100000 : i32
    %add3A_123 = vector.broadcast %add3A_122 : i32 to vector<16xi32>
    %add3A_124 = arith.addi %get3A_121, %add3A_123 : vector<16xi32>
    %swap3A_125 = arith.constant 272 : index
    %swap3A_126 = tpu.vector_load %arg9[%swap3A_125] {strides = array<i32>} : memref<512xi32, #tpu.memory_space<vmem>>, vector<16xi32>,
    tpu.vector_store %arg9[%swap3A_125], %add3A_124 {strides = array<i32>} : memref<512xi32, #tpu.memory_space<vmem>>, vector<16xi32>,
    %get3A_127 = arith.constant 288 : index
    %get3A_128 = tpu.vector_load %arg9[%get3A_127] {strides = array<i32>} : memref<512xi32, #tpu.memory_space<vmem>>, vector<16xi32>,
    %add3A_129 = arith.constant 100000 : i32
    %add3A_130 = vector.broadcast %add3A_129 : i32 to vector<16xi32>
    %add3A_131 = arith.addi %get3A_128, %add3A_130 : vector<16xi32>
    %swap3A_132 = arith.constant 288 : index
    %swap3A_133 = tpu.vector_load %arg9[%swap3A_132] {strides = array<i32>} : memref<512xi32, #tpu.memory_space<vmem>>, vector<16xi32>,
    tpu.vector_store %arg9[%swap3A_132], %add3A_131 {strides = array<i32>} : memref<512xi32, #tpu.memory_space<vmem>>, vector<16xi32>,
    %get3A_134 = arith.constant 304 : index
    %get3A_135 = tpu.vector_load %arg9[%get3A_134] {strides = array<i32>} : memref<512xi32, #tpu.memory_space<vmem>>, vector<16xi32>,
    %add3A_136 = arith.constant 100000 : i32
    %add3A_137 = vector.broadcast %add3A_136 : i32 to vector<16xi32>
    %add3A_138 = arith.addi %get3A_135, %add3A_137 : vector<16xi32>
    %swap3A_139 = arith.constant 304 : index
    %swap3A_140 = tpu.vector_load %arg9[%swap3A_139] {strides = array<i32>} : memref<512xi32, #tpu.memory_space<vmem>>, vector<16xi32>,
    tpu.vector_store %arg9[%swap3A_139], %add3A_138 {strides = array<i32>} : memref<512xi32, #tpu.memory_space<vmem>>, vector<16xi32>,
    %get3A_141 = arith.constant 320 : index
    %get3A_142 = tpu.vector_load %arg9[%get3A_141] {strides = array<i32>} : memref<512xi32, #tpu.memory_space<vmem>>, vector<16xi32>,
    %add3A_143 = arith.constant 100000 : i32
    %add3A_144 = vector.broadcast %add3A_143 : i32 to vector<16xi32>
    %add3A_145 = arith.addi %get3A_142, %add3A_144 : vector<16xi32>
    %swap3A_146 = arith.constant 320 : index
    %swap3A_147 = tpu.vector_load %arg9[%swap3A_146] {strides = array<i32>} : memref<512xi32, #tpu.memory_space<vmem>>, vector<16xi32>,
    tpu.vector_store %arg9[%swap3A_146], %add3A_145 {strides = array<i32>} : memref<512xi32, #tpu.memory_space<vmem>>, vector<16xi32>,
    %get3A_148 = arith.constant 336 : index
    %get3A_149 = tpu.vector_load %arg9[%get3A_148] {strides = array<i32>} : memref<512xi32, #tpu.memory_space<vmem>>, vector<16xi32>,
    %add3A_150 = arith.constant 100000 : i32
    %add3A_151 = vector.broadcast %add3A_150 : i32 to vector<16xi32>
    %add3A_152 = arith.addi %get3A_149, %add3A_151 : vector<16xi32>
    %swap3A_153 = arith.constant 336 : index
    %swap3A_154 = tpu.vector_load %arg9[%swap3A_153] {strides = array<i32>} : memref<512xi32, #tpu.memory_space<vmem>>, vector<16xi32>,
    tpu.vector_store %arg9[%swap3A_153], %add3A_152 {strides = array<i32>} : memref<512xi32, #tpu.memory_space<vmem>>, vector<16xi32>,
    %get3A_155 = arith.constant 352 : index
    %get3A_156 = tpu.vector_load %arg9[%get3A_155] {strides = array<i32>} : memref<512xi32, #tpu.memory_space<vmem>>, vector<16xi32>,
    %add3A_157 = arith.constant 100000 : i32
    %add3A_158 = vector.broadcast %add3A_157 : i32 to vector<16xi32>
    %add3A_159 = arith.addi %get3A_156, %add3A_158 : vector<16xi32>
    %swap3A_160 = arith.constant 352 : index
    %swap3A_161 = tpu.vector_load %arg9[%swap3A_160] {strides = array<i32>} : memref<512xi32, #tpu.memory_space<vmem>>, vector<16xi32>,
    tpu.vector_store %arg9[%swap3A_160], %add3A_159 {strides = array<i32>} : memref<512xi32, #tpu.memory_space<vmem>>, vector<16xi32>,
    %get3A_162 = arith.constant 368 : index
    %get3A_163 = tpu.vector_load %arg9[%get3A_162] {strides = array<i32>} : memref<512xi32, #tpu.memory_space<vmem>>, vector<16xi32>,
    %add3A_164 = arith.constant 100000 : i32
    %add3A_165 = vector.broadcast %add3A_164 : i32 to vector<16xi32>
    %add3A_166 = arith.addi %get3A_163, %add3A_165 : vector<16xi32>
    %swap3A_167 = arith.constant 368 : index
    %swap3A_168 = tpu.vector_load %arg9[%swap3A_167] {strides = array<i32>} : memref<512xi32, #tpu.memory_space<vmem>>, vector<16xi32>,
    tpu.vector_store %arg9[%swap3A_167], %add3A_166 {strides = array<i32>} : memref<512xi32, #tpu.memory_space<vmem>>, vector<16xi32>,
    %get3A_169 = arith.constant 384 : index
    %get3A_170 = tpu.vector_load %arg9[%get3A_169] {strides = array<i32>} : memref<512xi32, #tpu.memory_space<vmem>>, vector<16xi32>,
    %add3A_171 = arith.constant 100000 : i32
    %add3A_172 = vector.broadcast %add3A_171 : i32 to vector<16xi32>
    %add3A_173 = arith.addi %get3A_170, %add3A_172 : vector<16xi32>
    %swap3A_174 = arith.constant 384 : index
    %swap3A_175 = tpu.vector_load %arg9[%swap3A_174] {strides = array<i32>} : memref<512xi32, #tpu.memory_space<vmem>>, vector<16xi32>,
    tpu.vector_store %arg9[%swap3A_174], %add3A_173 {strides = array<i32>} : memref<512xi32, #tpu.memory_space<vmem>>, vector<16xi32>,
    %get3A_176 = arith.constant 400 : index
    %get3A_177 = tpu.vector_load %arg9[%get3A_176] {strides = array<i32>} : memref<512xi32, #tpu.memory_space<vmem>>, vector<16xi32>,
    %add3A_178 = arith.constant 100000 : i32
    %add3A_179 = vector.broadcast %add3A_178 : i32 to vector<16xi32>
    %add3A_180 = arith.addi %get3A_177, %add3A_179 : vector<16xi32>
    %swap3A_181 = arith.constant 400 : index
    %swap3A_182 = tpu.vector_load %arg9[%swap3A_181] {strides = array<i32>} : memref<512xi32, #tpu.memory_space<vmem>>, vector<16xi32>,
    tpu.vector_store %arg9[%swap3A_181], %add3A_180 {strides = array<i32>} : memref<512xi32, #tpu.memory_space<vmem>>, vector<16xi32>,
    %get3A_183 = arith.constant 416 : index
    %get3A_184 = tpu.vector_load %arg9[%get3A_183] {strides = array<i32>} : memref<512xi32, #tpu.memory_space<vmem>>, vector<16xi32>,
    %add3A_185 = arith.constant 100000 : i32
    %add3A_186 = vector.broadcast %add3A_185 : i32 to vector<16xi32>
    %add3A_187 = arith.addi %get3A_184, %add3A_186 : vector<16xi32>
    %swap3A_188 = arith.constant 416 : index
    %swap3A_189 = tpu.vector_load %arg9[%swap3A_188] {strides = array<i32>} : memref<512xi32, #tpu.memory_space<vmem>>, vector<16xi32>,
    tpu.vector_store %arg9[%swap3A_188], %add3A_187 {strides = array<i32>} : memref<512xi32, #tpu.memory_space<vmem>>, vector<16xi32>,
    %get3A_190 = arith.constant 432 : index
    %get3A_191 = tpu.vector_load %arg9[%get3A_190] {strides = array<i32>} : memref<512xi32, #tpu.memory_space<vmem>>, vector<16xi32>,
    %add3A_192 = arith.constant 100000 : i32
    %add3A_193 = vector.broadcast %add3A_192 : i32 to vector<16xi32>
    %add3A_194 = arith.addi %get3A_191, %add3A_193 : vector<16xi32>
    %swap3A_195 = arith.constant 432 : index
    %swap3A_196 = tpu.vector_load %arg9[%swap3A_195] {strides = array<i32>} : memref<512xi32, #tpu.memory_space<vmem>>, vector<16xi32>,
    tpu.vector_store %arg9[%swap3A_195], %add3A_194 {strides = array<i32>} : memref<512xi32, #tpu.memory_space<vmem>>, vector<16xi32>,
    %get3A_197 = arith.constant 448 : index
    %get3A_198 = tpu.vector_load %arg9[%get3A_197] {strides = array<i32>} : memref<512xi32, #tpu.memory_space<vmem>>, vector<16xi32>,
    %add3A_199 = arith.constant 100000 : i32
    %add3A_200 = vector.broadcast %add3A_199 : i32 to vector<16xi32>
    %add3A_201 = arith.addi %get3A_198, %add3A_200 : vector<16xi32>
    %swap3A_202 = arith.constant 448 : index
    %swap3A_203 = tpu.vector_load %arg9[%swap3A_202] {strides = array<i32>} : memref<512xi32, #tpu.memory_space<vmem>>, vector<16xi32>,
    tpu.vector_store %arg9[%swap3A_202], %add3A_201 {strides = array<i32>} : memref<512xi32, #tpu.memory_space<vmem>>, vector<16xi32>,
    %get3A_204 = arith.constant 464 : index
    %get3A_205 = tpu.vector_load %arg9[%get3A_204] {strides = array<i32>} : memref<512xi32, #tpu.memory_space<vmem>>, vector<16xi32>,
    %add3A_206 = arith.constant 100000 : i32
    %add3A_207 = vector.broadcast %add3A_206 : i32 to vector<16xi32>
    %add3A_208 = arith.addi %get3A_205, %add3A_207 : vector<16xi32>
    %swap3A_209 = arith.constant 464 : index
    %swap3A_210 = tpu.vector_load %arg9[%swap3A_209] {strides = array<i32>} : memref<512xi32, #tpu.memory_space<vmem>>, vector<16xi32>,
    tpu.vector_store %arg9[%swap3A_209], %add3A_208 {strides = array<i32>} : memref<512xi32, #tpu.memory_space<vmem>>, vector<16xi32>,
    %get3A_211 = arith.constant 480 : index
    %get3A_212 = tpu.vector_load %arg9[%get3A_211] {strides = array<i32>} : memref<512xi32, #tpu.memory_space<vmem>>, vector<16xi32>,
    %add3A_213 = arith.constant 100000 : i32
    %add3A_214 = vector.broadcast %add3A_213 : i32 to vector<16xi32>
    %add3A_215 = arith.addi %get3A_212, %add3A_214 : vector<16xi32>
    %swap3A_216 = arith.constant 480 : index
    %swap3A_217 = tpu.vector_load %arg9[%swap3A_216] {strides = array<i32>} : memref<512xi32, #tpu.memory_space<vmem>>, vector<16xi32>,
    tpu.vector_store %arg9[%swap3A_216], %add3A_215 {strides = array<i32>} : memref<512xi32, #tpu.memory_space<vmem>>, vector<16xi32>,
    %get3A_218 = arith.constant 496 : index
    %get3A_219 = tpu.vector_load %arg9[%get3A_218] {strides = array<i32>} : memref<512xi32, #tpu.memory_space<vmem>>, vector<16xi32>,
    %add3A_220 = arith.constant 100000 : i32
    %add3A_221 = vector.broadcast %add3A_220 : i32 to vector<16xi32>
    %add3A_222 = arith.addi %get3A_219, %add3A_221 : vector<16xi32>
    %swap3A_223 = arith.constant 496 : index
    %swap3A_224 = tpu.vector_load %arg9[%swap3A_223] {strides = array<i32>} : memref<512xi32, #tpu.memory_space<vmem>>, vector<16xi32>,
    tpu.vector_store %arg9[%swap3A_223], %add3A_222 {strides = array<i32>} : memref<512xi32, #tpu.memory_space<vmem>>, vector<16xi32>,
    %dma_start3A = arith.constant 0 : i32
    %dma_start3A_225 = arith.constant 0 : i32
    %dma_start3A_226 = tpu.memref_slice %arg10[%dma_start3A, %dma_start3A_225] : memref<512x64xf32, #tpu.memory_space<vmem>> -> memref<128x64xf32, #tpu.memory_space<vmem>>
    %dma_start3A_227 = arith.constant 0 : i32
    %dma_start3A_228 = tpu.memref_slice %arg8[%dma_start3A_227] : memref<512xi32, #tpu.memory_space<vmem>> -> memref<128xi32, #tpu.memory_space<vmem>>
    %dma_start3A_229 = arith.constant 0 : i32
    %dma_start3A_230 = arith.constant 0 : i32
    %dma_start3A_231 = tpu.memref_slice %arg6[%dma_start3A_229, %dma_start3A_230] : memref<200000x64xf32, #tpu.memory_space<hbm>> -> memref<200000x64xf32, #tpu.memory_space<hbm>>
    tpu.enqueue_indirect_dma source(%dma_start3A_231 : memref<200000x64xf32, #tpu.memory_space<hbm>>) target(%dma_start3A_226 : memref<128x64xf32, #tpu.memory_space<vmem>>) offsets(%dma_start3A_228 : memref<128xi32, #tpu.memory_space<vmem>>) semaphore(%arg17 : memref<!tpu.dma_semaphore, #tpu.memory_space<semaphore_mem>>)
    %dma_start3A_232 = arith.constant 0 : i32
    %dma_start3A_233 = arith.constant 0 : i32
    %dma_start3A_234 = tpu.memref_slice %arg11[%dma_start3A_232, %dma_start3A_233] : memref<512x64xf32, #tpu.memory_space<vmem>> -> memref<128x64xf32, #tpu.memory_space<vmem>>
    %dma_start3A_235 = arith.constant 0 : i32
    %dma_start3A_236 = tpu.memref_slice %arg9[%dma_start3A_235] : memref<512xi32, #tpu.memory_space<vmem>> -> memref<128xi32, #tpu.memory_space<vmem>>
    %dma_start3A_237 = arith.constant 0 : i32
    %dma_start3A_238 = arith.constant 0 : i32
    %dma_start3A_239 = tpu.memref_slice %arg6[%dma_start3A_237, %dma_start3A_238] : memref<200000x64xf32, #tpu.memory_space<hbm>> -> memref<200000x64xf32, #tpu.memory_space<hbm>>
    tpu.enqueue_indirect_dma source(%dma_start3A_239 : memref<200000x64xf32, #tpu.memory_space<hbm>>) target(%dma_start3A_234 : memref<128x64xf32, #tpu.memory_space<vmem>>) offsets(%dma_start3A_236 : memref<128xi32, #tpu.memory_space<vmem>>) semaphore(%arg17 : memref<!tpu.dma_semaphore, #tpu.memory_space<semaphore_mem>>)
    %dma_start3A_240 = arith.constant 0 : i32
    %dma_start3A_241 = tpu.memref_slice %arg12[%dma_start3A_240] : memref<512xf32, #tpu.memory_space<vmem>> -> memref<128xf32, #tpu.memory_space<vmem>>
    %dma_start3A_242 = arith.constant 0 : i32
    %dma_start3A_243 = tpu.memref_slice %arg8[%dma_start3A_242] : memref<512xi32, #tpu.memory_space<vmem>> -> memref<128xi32, #tpu.memory_space<vmem>>
    %dma_start3A_244 = arith.constant 0 : i32
    %dma_start3A_245 = tpu.memref_slice %arg5[%dma_start3A_244] : memref<200000xf32, #tpu.memory_space<hbm>> -> memref<200000xf32, #tpu.memory_space<hbm>>
    tpu.enqueue_indirect_dma source(%dma_start3A_245 : memref<200000xf32, #tpu.memory_space<hbm>>) target(%dma_start3A_241 : memref<128xf32, #tpu.memory_space<vmem>>) offsets(%dma_start3A_243 : memref<128xi32, #tpu.memory_space<vmem>>) semaphore(%arg17 : memref<!tpu.dma_semaphore, #tpu.memory_space<semaphore_mem>>)
    %dma_start3A_246 = arith.constant 0 : i32
    %dma_start3A_247 = tpu.memref_slice %arg13[%dma_start3A_246] : memref<512xf32, #tpu.memory_space<vmem>> -> memref<128xf32, #tpu.memory_space<vmem>>
    %dma_start3A_248 = arith.constant 0 : i32
    %dma_start3A_249 = tpu.memref_slice %arg9[%dma_start3A_248] : memref<512xi32, #tpu.memory_space<vmem>> -> memref<128xi32, #tpu.memory_space<vmem>>
    %dma_start3A_250 = arith.constant 0 : i32
    %dma_start3A_251 = tpu.memref_slice %arg5[%dma_start3A_250] : memref<200000xf32, #tpu.memory_space<hbm>> -> memref<200000xf32, #tpu.memory_space<hbm>>
    tpu.enqueue_indirect_dma source(%dma_start3A_251 : memref<200000xf32, #tpu.memory_space<hbm>>) target(%dma_start3A_247 : memref<128xf32, #tpu.memory_space<vmem>>) offsets(%dma_start3A_249 : memref<128xi32, #tpu.memory_space<vmem>>) semaphore(%arg17 : memref<!tpu.dma_semaphore, #tpu.memory_space<semaphore_mem>>)
    %dma_start3A_252 = arith.constant 128 : i32
    %dma_start3A_253 = arith.constant 0 : i32
    %dma_start3A_254 = tpu.memref_slice %arg10[%dma_start3A_252, %dma_start3A_253] : memref<512x64xf32, #tpu.memory_space<vmem>> -> memref<128x64xf32, #tpu.memory_space<vmem>>
    %dma_start3A_255 = arith.constant 128 : i32
    %dma_start3A_256 = tpu.memref_slice %arg8[%dma_start3A_255] : memref<512xi32, #tpu.memory_space<vmem>> -> memref<128xi32, #tpu.memory_space<vmem>>
    %dma_start3A_257 = arith.constant 0 : i32
    %dma_start3A_258 = arith.constant 0 : i32
    %dma_start3A_259 = tpu.memref_slice %arg6[%dma_start3A_257, %dma_start3A_258] : memref<200000x64xf32, #tpu.memory_space<hbm>> -> memref<200000x64xf32, #tpu.memory_space<hbm>>
    tpu.enqueue_indirect_dma source(%dma_start3A_259 : memref<200000x64xf32, #tpu.memory_space<hbm>>) target(%dma_start3A_254 : memref<128x64xf32, #tpu.memory_space<vmem>>) offsets(%dma_start3A_256 : memref<128xi32, #tpu.memory_space<vmem>>) semaphore(%arg17 : memref<!tpu.dma_semaphore, #tpu.memory_space<semaphore_mem>>)
    %dma_start3A_260 = arith.constant 128 : i32
    %dma_start3A_261 = arith.constant 0 : i32
    %dma_start3A_262 = tpu.memref_slice %arg11[%dma_start3A_260, %dma_start3A_261] : memref<512x64xf32, #tpu.memory_space<vmem>> -> memref<128x64xf32, #tpu.memory_space<vmem>>
    %dma_start3A_263 = arith.constant 128 : i32
    %dma_start3A_264 = tpu.memref_slice %arg9[%dma_start3A_263] : memref<512xi32, #tpu.memory_space<vmem>> -> memref<128xi32, #tpu.memory_space<vmem>>
    %dma_start3A_265 = arith.constant 0 : i32
    %dma_start3A_266 = arith.constant 0 : i32
    %dma_start3A_267 = tpu.memref_slice %arg6[%dma_start3A_265, %dma_start3A_266] : memref<200000x64xf32, #tpu.memory_space<hbm>> -> memref<200000x64xf32, #tpu.memory_space<hbm>>
    tpu.enqueue_indirect_dma source(%dma_start3A_267 : memref<200000x64xf32, #tpu.memory_space<hbm>>) target(%dma_start3A_262 : memref<128x64xf32, #tpu.memory_space<vmem>>) offsets(%dma_start3A_264 : memref<128xi32, #tpu.memory_space<vmem>>) semaphore(%arg17 : memref<!tpu.dma_semaphore, #tpu.memory_space<semaphore_mem>>)
    %dma_start3A_268 = arith.constant 128 : i32
    %dma_start3A_269 = tpu.memref_slice %arg12[%dma_start3A_268] : memref<512xf32, #tpu.memory_space<vmem>> -> memref<128xf32, #tpu.memory_space<vmem>>
    %dma_start3A_270 = arith.constant 128 : i32
    %dma_start3A_271 = tpu.memref_slice %arg8[%dma_start3A_270] : memref<512xi32, #tpu.memory_space<vmem>> -> memref<128xi32, #tpu.memory_space<vmem>>
    %dma_start3A_272 = arith.constant 0 : i32
    %dma_start3A_273 = tpu.memref_slice %arg5[%dma_start3A_272] : memref<200000xf32, #tpu.memory_space<hbm>> -> memref<200000xf32, #tpu.memory_space<hbm>>
    tpu.enqueue_indirect_dma source(%dma_start3A_273 : memref<200000xf32, #tpu.memory_space<hbm>>) target(%dma_start3A_269 : memref<128xf32, #tpu.memory_space<vmem>>) offsets(%dma_start3A_271 : memref<128xi32, #tpu.memory_space<vmem>>) semaphore(%arg17 : memref<!tpu.dma_semaphore, #tpu.memory_space<semaphore_mem>>)
    %dma_start3A_274 = arith.constant 128 : i32
    %dma_start3A_275 = tpu.memref_slice %arg13[%dma_start3A_274] : memref<512xf32, #tpu.memory_space<vmem>> -> memref<128xf32, #tpu.memory_space<vmem>>
    %dma_start3A_276 = arith.constant 128 : i32
    %dma_start3A_277 = tpu.memref_slice %arg9[%dma_start3A_276] : memref<512xi32, #tpu.memory_space<vmem>> -> memref<128xi32, #tpu.memory_space<vmem>>
    %dma_start3A_278 = arith.constant 0 : i32
    %dma_start3A_279 = tpu.memref_slice %arg5[%dma_start3A_278] : memref<200000xf32, #tpu.memory_space<hbm>> -> memref<200000xf32, #tpu.memory_space<hbm>>
    tpu.enqueue_indirect_dma source(%dma_start3A_279 : memref<200000xf32, #tpu.memory_space<hbm>>) target(%dma_start3A_275 : memref<128xf32, #tpu.memory_space<vmem>>) offsets(%dma_start3A_277 : memref<128xi32, #tpu.memory_space<vmem>>) semaphore(%arg17 : memref<!tpu.dma_semaphore, #tpu.memory_space<semaphore_mem>>)
    %dma_start3A_280 = arith.constant 256 : i32
    %dma_start3A_281 = arith.constant 0 : i32
    %dma_start3A_282 = tpu.memref_slice %arg10[%dma_start3A_280, %dma_start3A_281] : memref<512x64xf32, #tpu.memory_space<vmem>> -> memref<128x64xf32, #tpu.memory_space<vmem>>
    %dma_start3A_283 = arith.constant 256 : i32
    %dma_start3A_284 = tpu.memref_slice %arg8[%dma_start3A_283] : memref<512xi32, #tpu.memory_space<vmem>> -> memref<128xi32, #tpu.memory_space<vmem>>
    %dma_start3A_285 = arith.constant 0 : i32
    %dma_start3A_286 = arith.constant 0 : i32
    %dma_start3A_287 = tpu.memref_slice %arg6[%dma_start3A_285, %dma_start3A_286] : memref<200000x64xf32, #tpu.memory_space<hbm>> -> memref<200000x64xf32, #tpu.memory_space<hbm>>
    tpu.enqueue_indirect_dma source(%dma_start3A_287 : memref<200000x64xf32, #tpu.memory_space<hbm>>) target(%dma_start3A_282 : memref<128x64xf32, #tpu.memory_space<vmem>>) offsets(%dma_start3A_284 : memref<128xi32, #tpu.memory_space<vmem>>) semaphore(%arg17 : memref<!tpu.dma_semaphore, #tpu.memory_space<semaphore_mem>>)
    %dma_start3A_288 = arith.constant 256 : i32
    %dma_start3A_289 = arith.constant 0 : i32
    %dma_start3A_290 = tpu.memref_slice %arg11[%dma_start3A_288, %dma_start3A_289] : memref<512x64xf32, #tpu.memory_space<vmem>> -> memref<128x64xf32, #tpu.memory_space<vmem>>
    %dma_start3A_291 = arith.constant 256 : i32
    %dma_start3A_292 = tpu.memref_slice %arg9[%dma_start3A_291] : memref<512xi32, #tpu.memory_space<vmem>> -> memref<128xi32, #tpu.memory_space<vmem>>
    %dma_start3A_293 = arith.constant 0 : i32
    %dma_start3A_294 = arith.constant 0 : i32
    %dma_start3A_295 = tpu.memref_slice %arg6[%dma_start3A_293, %dma_start3A_294] : memref<200000x64xf32, #tpu.memory_space<hbm>> -> memref<200000x64xf32, #tpu.memory_space<hbm>>
    tpu.enqueue_indirect_dma source(%dma_start3A_295 : memref<200000x64xf32, #tpu.memory_space<hbm>>) target(%dma_start3A_290 : memref<128x64xf32, #tpu.memory_space<vmem>>) offsets(%dma_start3A_292 : memref<128xi32, #tpu.memory_space<vmem>>) semaphore(%arg17 : memref<!tpu.dma_semaphore, #tpu.memory_space<semaphore_mem>>)
    %dma_start3A_296 = arith.constant 256 : i32
    %dma_start3A_297 = tpu.memref_slice %arg12[%dma_start3A_296] : memref<512xf32, #tpu.memory_space<vmem>> -> memref<128xf32, #tpu.memory_space<vmem>>
    %dma_start3A_298 = arith.constant 256 : i32
    %dma_start3A_299 = tpu.memref_slice %arg8[%dma_start3A_298] : memref<512xi32, #tpu.memory_space<vmem>> -> memref<128xi32, #tpu.memory_space<vmem>>
    %dma_start3A_300 = arith.constant 0 : i32
    %dma_start3A_301 = tpu.memref_slice %arg5[%dma_start3A_300] : memref<200000xf32, #tpu.memory_space<hbm>> -> memref<200000xf32, #tpu.memory_space<hbm>>
    tpu.enqueue_indirect_dma source(%dma_start3A_301 : memref<200000xf32, #tpu.memory_space<hbm>>) target(%dma_start3A_297 : memref<128xf32, #tpu.memory_space<vmem>>) offsets(%dma_start3A_299 : memref<128xi32, #tpu.memory_space<vmem>>) semaphore(%arg17 : memref<!tpu.dma_semaphore, #tpu.memory_space<semaphore_mem>>)
    %dma_start3A_302 = arith.constant 256 : i32
    %dma_start3A_303 = tpu.memref_slice %arg13[%dma_start3A_302] : memref<512xf32, #tpu.memory_space<vmem>> -> memref<128xf32, #tpu.memory_space<vmem>>
    %dma_start3A_304 = arith.constant 256 : i32
    %dma_start3A_305 = tpu.memref_slice %arg9[%dma_start3A_304] : memref<512xi32, #tpu.memory_space<vmem>> -> memref<128xi32, #tpu.memory_space<vmem>>
    %dma_start3A_306 = arith.constant 0 : i32
    %dma_start3A_307 = tpu.memref_slice %arg5[%dma_start3A_306] : memref<200000xf32, #tpu.memory_space<hbm>> -> memref<200000xf32, #tpu.memory_space<hbm>>
    tpu.enqueue_indirect_dma source(%dma_start3A_307 : memref<200000xf32, #tpu.memory_space<hbm>>) target(%dma_start3A_303 : memref<128xf32, #tpu.memory_space<vmem>>) offsets(%dma_start3A_305 : memref<128xi32, #tpu.memory_space<vmem>>) semaphore(%arg17 : memref<!tpu.dma_semaphore, #tpu.memory_space<semaphore_mem>>)
    %dma_start3A_308 = arith.constant 384 : i32
    %dma_start3A_309 = arith.constant 0 : i32
    %dma_start3A_310 = tpu.memref_slice %arg10[%dma_start3A_308, %dma_start3A_309] : memref<512x64xf32, #tpu.memory_space<vmem>> -> memref<128x64xf32, #tpu.memory_space<vmem>>
    %dma_start3A_311 = arith.constant 384 : i32
    %dma_start3A_312 = tpu.memref_slice %arg8[%dma_start3A_311] : memref<512xi32, #tpu.memory_space<vmem>> -> memref<128xi32, #tpu.memory_space<vmem>>
    %dma_start3A_313 = arith.constant 0 : i32
    %dma_start3A_314 = arith.constant 0 : i32
    %dma_start3A_315 = tpu.memref_slice %arg6[%dma_start3A_313, %dma_start3A_314] : memref<200000x64xf32, #tpu.memory_space<hbm>> -> memref<200000x64xf32, #tpu.memory_space<hbm>>
    tpu.enqueue_indirect_dma source(%dma_start3A_315 : memref<200000x64xf32, #tpu.memory_space<hbm>>) target(%dma_start3A_310 : memref<128x64xf32, #tpu.memory_space<vmem>>) offsets(%dma_start3A_312 : memref<128xi32, #tpu.memory_space<vmem>>) semaphore(%arg17 : memref<!tpu.dma_semaphore, #tpu.memory_space<semaphore_mem>>)
    %dma_start3A_316 = arith.constant 384 : i32
    %dma_start3A_317 = arith.constant 0 : i32
    %dma_start3A_318 = tpu.memref_slice %arg11[%dma_start3A_316, %dma_start3A_317] : memref<512x64xf32, #tpu.memory_space<vmem>> -> memref<128x64xf32, #tpu.memory_space<vmem>>
    %dma_start3A_319 = arith.constant 384 : i32
    %dma_start3A_320 = tpu.memref_slice %arg9[%dma_start3A_319] : memref<512xi32, #tpu.memory_space<vmem>> -> memref<128xi32, #tpu.memory_space<vmem>>
    %dma_start3A_321 = arith.constant 0 : i32
    %dma_start3A_322 = arith.constant 0 : i32
    %dma_start3A_323 = tpu.memref_slice %arg6[%dma_start3A_321, %dma_start3A_322] : memref<200000x64xf32, #tpu.memory_space<hbm>> -> memref<200000x64xf32, #tpu.memory_space<hbm>>
    tpu.enqueue_indirect_dma source(%dma_start3A_323 : memref<200000x64xf32, #tpu.memory_space<hbm>>) target(%dma_start3A_318 : memref<128x64xf32, #tpu.memory_space<vmem>>) offsets(%dma_start3A_320 : memref<128xi32, #tpu.memory_space<vmem>>) semaphore(%arg17 : memref<!tpu.dma_semaphore, #tpu.memory_space<semaphore_mem>>)
    %dma_start3A_324 = arith.constant 384 : i32
    %dma_start3A_325 = tpu.memref_slice %arg12[%dma_start3A_324] : memref<512xf32, #tpu.memory_space<vmem>> -> memref<128xf32, #tpu.memory_space<vmem>>
    %dma_start3A_326 = arith.constant 384 : i32
    %dma_start3A_327 = tpu.memref_slice %arg8[%dma_start3A_326] : memref<512xi32, #tpu.memory_space<vmem>> -> memref<128xi32, #tpu.memory_space<vmem>>
    %dma_start3A_328 = arith.constant 0 : i32
    %dma_start3A_329 = tpu.memref_slice %arg5[%dma_start3A_328] : memref<200000xf32, #tpu.memory_space<hbm>> -> memref<200000xf32, #tpu.memory_space<hbm>>
    tpu.enqueue_indirect_dma source(%dma_start3A_329 : memref<200000xf32, #tpu.memory_space<hbm>>) target(%dma_start3A_325 : memref<128xf32, #tpu.memory_space<vmem>>) offsets(%dma_start3A_327 : memref<128xi32, #tpu.memory_space<vmem>>) semaphore(%arg17 : memref<!tpu.dma_semaphore, #tpu.memory_space<semaphore_mem>>)
    %dma_start3A_330 = arith.constant 384 : i32
    %dma_start3A_331 = tpu.memref_slice %arg13[%dma_start3A_330] : memref<512xf32, #tpu.memory_space<vmem>> -> memref<128xf32, #tpu.memory_space<vmem>>
    %dma_start3A_332 = arith.constant 384 : i32
    %dma_start3A_333 = tpu.memref_slice %arg9[%dma_start3A_332] : memref<512xi32, #tpu.memory_space<vmem>> -> memref<128xi32, #tpu.memory_space<vmem>>
    %dma_start3A_334 = arith.constant 0 : i32
    %dma_start3A_335 = tpu.memref_slice %arg5[%dma_start3A_334] : memref<200000xf32, #tpu.memory_space<hbm>> -> memref<200000xf32, #tpu.memory_space<hbm>>
    tpu.enqueue_indirect_dma source(%dma_start3A_335 : memref<200000xf32, #tpu.memory_space<hbm>>) target(%dma_start3A_331 : memref<128xf32, #tpu.memory_space<vmem>>) offsets(%dma_start3A_333 : memref<128xi32, #tpu.memory_space<vmem>>) semaphore(%arg17 : memref<!tpu.dma_semaphore, #tpu.memory_space<semaphore_mem>>)
    %dma_wait3A = arith.constant 0 : i32
    %dma_wait3A_336 = arith.constant 0 : i32
    %dma_wait3A_337 = tpu.memref_slice %arg10[%dma_wait3A, %dma_wait3A_336] : memref<512x64xf32, #tpu.memory_space<vmem>> -> memref<128x64xf32, #tpu.memory_space<vmem>>
    %dma_wait3A_338 = arith.constant 0 : i32
    %dma_wait3A_339 = tpu.memref_slice %arg8[%dma_wait3A_338] : memref<512xi32, #tpu.memory_space<vmem>> -> memref<128xi32, #tpu.memory_space<vmem>>
    %dma_wait3A_340 = arith.constant 0 : i32
    %dma_wait3A_341 = arith.constant 0 : i32
    %dma_wait3A_342 = tpu.memref_slice %arg6[%dma_wait3A_340, %dma_wait3A_341] : memref<200000x64xf32, #tpu.memory_space<hbm>> -> memref<200000x64xf32, #tpu.memory_space<hbm>>
    tpu.wait_indirect_dma semaphore(%arg17 : memref<!tpu.dma_semaphore, #tpu.memory_space<semaphore_mem>>) src(%dma_wait3A_342 : memref<200000x64xf32, #tpu.memory_space<hbm>>) dst(%dma_wait3A_337 : memref<128x64xf32, #tpu.memory_space<vmem>>)
    %dma_wait3A_343 = arith.constant 0 : i32
    %dma_wait3A_344 = arith.constant 0 : i32
    %dma_wait3A_345 = tpu.memref_slice %arg11[%dma_wait3A_343, %dma_wait3A_344] : memref<512x64xf32, #tpu.memory_space<vmem>> -> memref<128x64xf32, #tpu.memory_space<vmem>>
    %dma_wait3A_346 = arith.constant 0 : i32
    %dma_wait3A_347 = tpu.memref_slice %arg9[%dma_wait3A_346] : memref<512xi32, #tpu.memory_space<vmem>> -> memref<128xi32, #tpu.memory_space<vmem>>
    %dma_wait3A_348 = arith.constant 0 : i32
    %dma_wait3A_349 = arith.constant 0 : i32
    %dma_wait3A_350 = tpu.memref_slice %arg6[%dma_wait3A_348, %dma_wait3A_349] : memref<200000x64xf32, #tpu.memory_space<hbm>> -> memref<200000x64xf32, #tpu.memory_space<hbm>>
    tpu.wait_indirect_dma semaphore(%arg17 : memref<!tpu.dma_semaphore, #tpu.memory_space<semaphore_mem>>) src(%dma_wait3A_350 : memref<200000x64xf32, #tpu.memory_space<hbm>>) dst(%dma_wait3A_345 : memref<128x64xf32, #tpu.memory_space<vmem>>)
    %dma_wait3A_351 = arith.constant 0 : i32
    %dma_wait3A_352 = tpu.memref_slice %arg12[%dma_wait3A_351] : memref<512xf32, #tpu.memory_space<vmem>> -> memref<128xf32, #tpu.memory_space<vmem>>
    %dma_wait3A_353 = arith.constant 0 : i32
    %dma_wait3A_354 = tpu.memref_slice %arg8[%dma_wait3A_353] : memref<512xi32, #tpu.memory_space<vmem>> -> memref<128xi32, #tpu.memory_space<vmem>>
    %dma_wait3A_355 = arith.constant 0 : i32
    %dma_wait3A_356 = tpu.memref_slice %arg5[%dma_wait3A_355] : memref<200000xf32, #tpu.memory_space<hbm>> -> memref<200000xf32, #tpu.memory_space<hbm>>
    tpu.wait_indirect_dma semaphore(%arg17 : memref<!tpu.dma_semaphore, #tpu.memory_space<semaphore_mem>>) src(%dma_wait3A_356 : memref<200000xf32, #tpu.memory_space<hbm>>) dst(%dma_wait3A_352 : memref<128xf32, #tpu.memory_space<vmem>>)
    %dma_wait3A_357 = arith.constant 0 : i32
    %dma_wait3A_358 = tpu.memref_slice %arg13[%dma_wait3A_357] : memref<512xf32, #tpu.memory_space<vmem>> -> memref<128xf32, #tpu.memory_space<vmem>>
    %dma_wait3A_359 = arith.constant 0 : i32
    %dma_wait3A_360 = tpu.memref_slice %arg9[%dma_wait3A_359] : memref<512xi32, #tpu.memory_space<vmem>> -> memref<128xi32, #tpu.memory_space<vmem>>
    %dma_wait3A_361 = arith.constant 0 : i32
    %dma_wait3A_362 = tpu.memref_slice %arg5[%dma_wait3A_361] : memref<200000xf32, #tpu.memory_space<hbm>> -> memref<200000xf32, #tpu.memory_space<hbm>>
    tpu.wait_indirect_dma semaphore(%arg17 : memref<!tpu.dma_semaphore, #tpu.memory_space<semaphore_mem>>) src(%dma_wait3A_362 : memref<200000xf32, #tpu.memory_space<hbm>>) dst(%dma_wait3A_358 : memref<128xf32, #tpu.memory_space<vmem>>)
    %dma_wait3A_363 = arith.constant 128 : i32
    %dma_wait3A_364 = arith.constant 0 : i32
    %dma_wait3A_365 = tpu.memref_slice %arg10[%dma_wait3A_363, %dma_wait3A_364] : memref<512x64xf32, #tpu.memory_space<vmem>> -> memref<128x64xf32, #tpu.memory_space<vmem>>
    %dma_wait3A_366 = arith.constant 128 : i32
    %dma_wait3A_367 = tpu.memref_slice %arg8[%dma_wait3A_366] : memref<512xi32, #tpu.memory_space<vmem>> -> memref<128xi32, #tpu.memory_space<vmem>>
    %dma_wait3A_368 = arith.constant 0 : i32
    %dma_wait3A_369 = arith.constant 0 : i32
    %dma_wait3A_370 = tpu.memref_slice %arg6[%dma_wait3A_368, %dma_wait3A_369] : memref<200000x64xf32, #tpu.memory_space<hbm>> -> memref<200000x64xf32, #tpu.memory_space<hbm>>
    tpu.wait_indirect_dma semaphore(%arg17 : memref<!tpu.dma_semaphore, #tpu.memory_space<semaphore_mem>>) src(%dma_wait3A_370 : memref<200000x64xf32, #tpu.memory_space<hbm>>) dst(%dma_wait3A_365 : memref<128x64xf32, #tpu.memory_space<vmem>>)
    %dma_wait3A_371 = arith.constant 128 : i32
    %dma_wait3A_372 = arith.constant 0 : i32
    %dma_wait3A_373 = tpu.memref_slice %arg11[%dma_wait3A_371, %dma_wait3A_372] : memref<512x64xf32, #tpu.memory_space<vmem>> -> memref<128x64xf32, #tpu.memory_space<vmem>>
    %dma_wait3A_374 = arith.constant 128 : i32
    %dma_wait3A_375 = tpu.memref_slice %arg9[%dma_wait3A_374] : memref<512xi32, #tpu.memory_space<vmem>> -> memref<128xi32, #tpu.memory_space<vmem>>
    %dma_wait3A_376 = arith.constant 0 : i32
    %dma_wait3A_377 = arith.constant 0 : i32
    %dma_wait3A_378 = tpu.memref_slice %arg6[%dma_wait3A_376, %dma_wait3A_377] : memref<200000x64xf32, #tpu.memory_space<hbm>> -> memref<200000x64xf32, #tpu.memory_space<hbm>>
    tpu.wait_indirect_dma semaphore(%arg17 : memref<!tpu.dma_semaphore, #tpu.memory_space<semaphore_mem>>) src(%dma_wait3A_378 : memref<200000x64xf32, #tpu.memory_space<hbm>>) dst(%dma_wait3A_373 : memref<128x64xf32, #tpu.memory_space<vmem>>)
    %dma_wait3A_379 = arith.constant 128 : i32
    %dma_wait3A_380 = tpu.memref_slice %arg12[%dma_wait3A_379] : memref<512xf32, #tpu.memory_space<vmem>> -> memref<128xf32, #tpu.memory_space<vmem>>
    %dma_wait3A_381 = arith.constant 128 : i32
    %dma_wait3A_382 = tpu.memref_slice %arg8[%dma_wait3A_381] : memref<512xi32, #tpu.memory_space<vmem>> -> memref<128xi32, #tpu.memory_space<vmem>>
    %dma_wait3A_383 = arith.constant 0 : i32
    %dma_wait3A_384 = tpu.memref_slice %arg5[%dma_wait3A_383] : memref<200000xf32, #tpu.memory_space<hbm>> -> memref<200000xf32, #tpu.memory_space<hbm>>
    tpu.wait_indirect_dma semaphore(%arg17 : memref<!tpu.dma_semaphore, #tpu.memory_space<semaphore_mem>>) src(%dma_wait3A_384 : memref<200000xf32, #tpu.memory_space<hbm>>) dst(%dma_wait3A_380 : memref<128xf32, #tpu.memory_space<vmem>>)
    %dma_wait3A_385 = arith.constant 128 : i32
    %dma_wait3A_386 = tpu.memref_slice %arg13[%dma_wait3A_385] : memref<512xf32, #tpu.memory_space<vmem>> -> memref<128xf32, #tpu.memory_space<vmem>>
    %dma_wait3A_387 = arith.constant 128 : i32
    %dma_wait3A_388 = tpu.memref_slice %arg9[%dma_wait3A_387] : memref<512xi32, #tpu.memory_space<vmem>> -> memref<128xi32, #tpu.memory_space<vmem>>
    %dma_wait3A_389 = arith.constant 0 : i32
    %dma_wait3A_390 = tpu.memref_slice %arg5[%dma_wait3A_389] : memref<200000xf32, #tpu.memory_space<hbm>> -> memref<200000xf32, #tpu.memory_space<hbm>>
    tpu.wait_indirect_dma semaphore(%arg17 : memref<!tpu.dma_semaphore, #tpu.memory_space<semaphore_mem>>) src(%dma_wait3A_390 : memref<200000xf32, #tpu.memory_space<hbm>>) dst(%dma_wait3A_386 : memref<128xf32, #tpu.memory_space<vmem>>)
    %dma_wait3A_391 = arith.constant 256 : i32
    %dma_wait3A_392 = arith.constant 0 : i32
    %dma_wait3A_393 = tpu.memref_slice %arg10[%dma_wait3A_391, %dma_wait3A_392] : memref<512x64xf32, #tpu.memory_space<vmem>> -> memref<128x64xf32, #tpu.memory_space<vmem>>
    %dma_wait3A_394 = arith.constant 256 : i32
    %dma_wait3A_395 = tpu.memref_slice %arg8[%dma_wait3A_394] : memref<512xi32, #tpu.memory_space<vmem>> -> memref<128xi32, #tpu.memory_space<vmem>>
    %dma_wait3A_396 = arith.constant 0 : i32
    %dma_wait3A_397 = arith.constant 0 : i32
    %dma_wait3A_398 = tpu.memref_slice %arg6[%dma_wait3A_396, %dma_wait3A_397] : memref<200000x64xf32, #tpu.memory_space<hbm>> -> memref<200000x64xf32, #tpu.memory_space<hbm>>
    tpu.wait_indirect_dma semaphore(%arg17 : memref<!tpu.dma_semaphore, #tpu.memory_space<semaphore_mem>>) src(%dma_wait3A_398 : memref<200000x64xf32, #tpu.memory_space<hbm>>) dst(%dma_wait3A_393 : memref<128x64xf32, #tpu.memory_space<vmem>>)
    %dma_wait3A_399 = arith.constant 256 : i32
    %dma_wait3A_400 = arith.constant 0 : i32
    %dma_wait3A_401 = tpu.memref_slice %arg11[%dma_wait3A_399, %dma_wait3A_400] : memref<512x64xf32, #tpu.memory_space<vmem>> -> memref<128x64xf32, #tpu.memory_space<vmem>>
    %dma_wait3A_402 = arith.constant 256 : i32
    %dma_wait3A_403 = tpu.memref_slice %arg9[%dma_wait3A_402] : memref<512xi32, #tpu.memory_space<vmem>> -> memref<128xi32, #tpu.memory_space<vmem>>
    %dma_wait3A_404 = arith.constant 0 : i32
    %dma_wait3A_405 = arith.constant 0 : i32
    %dma_wait3A_406 = tpu.memref_slice %arg6[%dma_wait3A_404, %dma_wait3A_405] : memref<200000x64xf32, #tpu.memory_space<hbm>> -> memref<200000x64xf32, #tpu.memory_space<hbm>>
    tpu.wait_indirect_dma semaphore(%arg17 : memref<!tpu.dma_semaphore, #tpu.memory_space<semaphore_mem>>) src(%dma_wait3A_406 : memref<200000x64xf32, #tpu.memory_space<hbm>>) dst(%dma_wait3A_401 : memref<128x64xf32, #tpu.memory_space<vmem>>)
    %dma_wait3A_407 = arith.constant 256 : i32
    %dma_wait3A_408 = tpu.memref_slice %arg12[%dma_wait3A_407] : memref<512xf32, #tpu.memory_space<vmem>> -> memref<128xf32, #tpu.memory_space<vmem>>
    %dma_wait3A_409 = arith.constant 256 : i32
    %dma_wait3A_410 = tpu.memref_slice %arg8[%dma_wait3A_409] : memref<512xi32, #tpu.memory_space<vmem>> -> memref<128xi32, #tpu.memory_space<vmem>>
    %dma_wait3A_411 = arith.constant 0 : i32
    %dma_wait3A_412 = tpu.memref_slice %arg5[%dma_wait3A_411] : memref<200000xf32, #tpu.memory_space<hbm>> -> memref<200000xf32, #tpu.memory_space<hbm>>
    tpu.wait_indirect_dma semaphore(%arg17 : memref<!tpu.dma_semaphore, #tpu.memory_space<semaphore_mem>>) src(%dma_wait3A_412 : memref<200000xf32, #tpu.memory_space<hbm>>) dst(%dma_wait3A_408 : memref<128xf32, #tpu.memory_space<vmem>>)
    %dma_wait3A_413 = arith.constant 256 : i32
    %dma_wait3A_414 = tpu.memref_slice %arg13[%dma_wait3A_413] : memref<512xf32, #tpu.memory_space<vmem>> -> memref<128xf32, #tpu.memory_space<vmem>>
    %dma_wait3A_415 = arith.constant 256 : i32
    %dma_wait3A_416 = tpu.memref_slice %arg9[%dma_wait3A_415] : memref<512xi32, #tpu.memory_space<vmem>> -> memref<128xi32, #tpu.memory_space<vmem>>
    %dma_wait3A_417 = arith.constant 0 : i32
    %dma_wait3A_418 = tpu.memref_slice %arg5[%dma_wait3A_417] : memref<200000xf32, #tpu.memory_space<hbm>> -> memref<200000xf32, #tpu.memory_space<hbm>>
    tpu.wait_indirect_dma semaphore(%arg17 : memref<!tpu.dma_semaphore, #tpu.memory_space<semaphore_mem>>) src(%dma_wait3A_418 : memref<200000xf32, #tpu.memory_space<hbm>>) dst(%dma_wait3A_414 : memref<128xf32, #tpu.memory_space<vmem>>)
    %dma_wait3A_419 = arith.constant 384 : i32
    %dma_wait3A_420 = arith.constant 0 : i32
    %dma_wait3A_421 = tpu.memref_slice %arg10[%dma_wait3A_419, %dma_wait3A_420] : memref<512x64xf32, #tpu.memory_space<vmem>> -> memref<128x64xf32, #tpu.memory_space<vmem>>
    %dma_wait3A_422 = arith.constant 384 : i32
    %dma_wait3A_423 = tpu.memref_slice %arg8[%dma_wait3A_422] : memref<512xi32, #tpu.memory_space<vmem>> -> memref<128xi32, #tpu.memory_space<vmem>>
    %dma_wait3A_424 = arith.constant 0 : i32
    %dma_wait3A_425 = arith.constant 0 : i32
    %dma_wait3A_426 = tpu.memref_slice %arg6[%dma_wait3A_424, %dma_wait3A_425] : memref<200000x64xf32, #tpu.memory_space<hbm>> -> memref<200000x64xf32, #tpu.memory_space<hbm>>
    tpu.wait_indirect_dma semaphore(%arg17 : memref<!tpu.dma_semaphore, #tpu.memory_space<semaphore_mem>>) src(%dma_wait3A_426 : memref<200000x64xf32, #tpu.memory_space<hbm>>) dst(%dma_wait3A_421 : memref<128x64xf32, #tpu.memory_space<vmem>>)
    %dma_wait3A_427 = arith.constant 384 : i32
    %dma_wait3A_428 = arith.constant 0 : i32
    %dma_wait3A_429 = tpu.memref_slice %arg11[%dma_wait3A_427, %dma_wait3A_428] : memref<512x64xf32, #tpu.memory_space<vmem>> -> memref<128x64xf32, #tpu.memory_space<vmem>>
    %dma_wait3A_430 = arith.constant 384 : i32
    %dma_wait3A_431 = tpu.memref_slice %arg9[%dma_wait3A_430] : memref<512xi32, #tpu.memory_space<vmem>> -> memref<128xi32, #tpu.memory_space<vmem>>
    %dma_wait3A_432 = arith.constant 0 : i32
    %dma_wait3A_433 = arith.constant 0 : i32
    %dma_wait3A_434 = tpu.memref_slice %arg6[%dma_wait3A_432, %dma_wait3A_433] : memref<200000x64xf32, #tpu.memory_space<hbm>> -> memref<200000x64xf32, #tpu.memory_space<hbm>>
    tpu.wait_indirect_dma semaphore(%arg17 : memref<!tpu.dma_semaphore, #tpu.memory_space<semaphore_mem>>) src(%dma_wait3A_434 : memref<200000x64xf32, #tpu.memory_space<hbm>>) dst(%dma_wait3A_429 : memref<128x64xf32, #tpu.memory_space<vmem>>)
    %dma_wait3A_435 = arith.constant 384 : i32
    %dma_wait3A_436 = tpu.memref_slice %arg12[%dma_wait3A_435] : memref<512xf32, #tpu.memory_space<vmem>> -> memref<128xf32, #tpu.memory_space<vmem>>
    %dma_wait3A_437 = arith.constant 384 : i32
    %dma_wait3A_438 = tpu.memref_slice %arg8[%dma_wait3A_437] : memref<512xi32, #tpu.memory_space<vmem>> -> memref<128xi32, #tpu.memory_space<vmem>>
    %dma_wait3A_439 = arith.constant 0 : i32
    %dma_wait3A_440 = tpu.memref_slice %arg5[%dma_wait3A_439] : memref<200000xf32, #tpu.memory_space<hbm>> -> memref<200000xf32, #tpu.memory_space<hbm>>
    tpu.wait_indirect_dma semaphore(%arg17 : memref<!tpu.dma_semaphore, #tpu.memory_space<semaphore_mem>>) src(%dma_wait3A_440 : memref<200000xf32, #tpu.memory_space<hbm>>) dst(%dma_wait3A_436 : memref<128xf32, #tpu.memory_space<vmem>>)
    %dma_wait3A_441 = arith.constant 384 : i32
    %dma_wait3A_442 = tpu.memref_slice %arg13[%dma_wait3A_441] : memref<512xf32, #tpu.memory_space<vmem>> -> memref<128xf32, #tpu.memory_space<vmem>>
    %dma_wait3A_443 = arith.constant 384 : i32
    %dma_wait3A_444 = tpu.memref_slice %arg9[%dma_wait3A_443] : memref<512xi32, #tpu.memory_space<vmem>> -> memref<128xi32, #tpu.memory_space<vmem>>
    %dma_wait3A_445 = arith.constant 0 : i32
    %dma_wait3A_446 = tpu.memref_slice %arg5[%dma_wait3A_445] : memref<200000xf32, #tpu.memory_space<hbm>> -> memref<200000xf32, #tpu.memory_space<hbm>>
    tpu.wait_indirect_dma semaphore(%arg17 : memref<!tpu.dma_semaphore, #tpu.memory_space<semaphore_mem>>) src(%dma_wait3A_446 : memref<200000xf32, #tpu.memory_space<hbm>>) dst(%dma_wait3A_442 : memref<128xf32, #tpu.memory_space<vmem>>)
    %iota3A = tpu.iota {dimensions = array<i32: 0>} : vector<16xi32>
    %get3A_447 = arith.constant 0 : index
    %get3A_448 = tpu.vector_load %arg14[%get3A_447] {strides = array<i32>} : memref<16xf32, #tpu.memory_space<vmem>>, vector<16xf32>,
    %scan3A = arith.constant 0 : i32
    %scan3A_449 = arith.constant 32 : i32
    %scan3A_450 = arith.addi %scan3A, %scan3A_449 : i32
    %scan3A_451 = arith.constant 1 : i32
    scf.for %scan3A_453 = %scan3A to %scan3A_450 step %scan3A_451  : i32 {
      %mul3A_454 = arith.constant 16 : i32
      %mul3A_455 = arith.muli %scan3A_453, %mul3A_454 : i32
      %add3A_456 = arith.constant 0 : i32
      %add3A_457 = arith.addi %mul3A_455, %add3A_456 : i32
      %get3A_458 = arith.index_cast %add3A_457 : i32 to index
      %get3A_459 = arith.constant 0 : index
      %get3A_460 = tpu.vector_load %arg10[%get3A_458, %get3A_459] {strides = array<i32>} : memref<512x64xf32, #tpu.memory_space<vmem>>, vector<16xf32>,
      %get3A_461 = arith.index_cast %add3A_457 : i32 to index
      %get3A_462 = arith.constant 0 : index
      %get3A_463 = tpu.vector_load %arg11[%get3A_461, %get3A_462] {strides = array<i32>} : memref<512x64xf32, #tpu.memory_space<vmem>>, vector<16xf32>,
      %mul3A_464 = arith.mulf %get3A_460, %get3A_463 : vector<16xf32>
      %get3A_465 = arith.index_cast %add3A_457 : i32 to index
      %get3A_466 = arith.constant 16 : index
      %get3A_467 = tpu.vector_load %arg10[%get3A_465, %get3A_466] {strides = array<i32>} : memref<512x64xf32, #tpu.memory_space<vmem>>, vector<16xf32>,
      %get3A_468 = arith.index_cast %add3A_457 : i32 to index
      %get3A_469 = arith.constant 16 : index
      %get3A_470 = tpu.vector_load %arg11[%get3A_468, %get3A_469] {strides = array<i32>} : memref<512x64xf32, #tpu.memory_space<vmem>>, vector<16xf32>,
      %mul3A_471 = arith.mulf %get3A_467, %get3A_470 : vector<16xf32>
      %add3A_472 = arith.addf %mul3A_464, %mul3A_471 : vector<16xf32>
      %get3A_473 = arith.index_cast %add3A_457 : i32 to index
      %get3A_474 = arith.constant 32 : index
      %get3A_475 = tpu.vector_load %arg10[%get3A_473, %get3A_474] {strides = array<i32>} : memref<512x64xf32, #tpu.memory_space<vmem>>, vector<16xf32>,
      %get3A_476 = arith.index_cast %add3A_457 : i32 to index
      %get3A_477 = arith.constant 32 : index
      %get3A_478 = tpu.vector_load %arg11[%get3A_476, %get3A_477] {strides = array<i32>} : memref<512x64xf32, #tpu.memory_space<vmem>>, vector<16xf32>,
      %mul3A_479 = arith.mulf %get3A_475, %get3A_478 : vector<16xf32>
      %add3A_480 = arith.addf %add3A_472, %mul3A_479 : vector<16xf32>
      %get3A_481 = arith.index_cast %add3A_457 : i32 to index
      %get3A_482 = arith.constant 48 : index
      %get3A_483 = tpu.vector_load %arg10[%get3A_481, %get3A_482] {strides = array<i32>} : memref<512x64xf32, #tpu.memory_space<vmem>>, vector<16xf32>,
      %get3A_484 = arith.index_cast %add3A_457 : i32 to index
      %get3A_485 = arith.constant 48 : index
      %get3A_486 = tpu.vector_load %arg11[%get3A_484, %get3A_485] {strides = array<i32>} : memref<512x64xf32, #tpu.memory_space<vmem>>, vector<16xf32>,
      %mul3A_487 = arith.mulf %get3A_483, %get3A_486 : vector<16xf32>
      %add3A_488 = arith.addf %add3A_480, %mul3A_487 : vector<16xf32>
      %swap3A_489 = arith.constant 0 : index
      %swap3A_490 = tpu.vector_load %arg15[%swap3A_489] {strides = array<i32>} : memref<256xf32, #tpu.memory_space<vmem>>, vector<16xf32>,
      tpu.vector_store %arg15[%swap3A_489], %add3A_488 {strides = array<i32>} : memref<256xf32, #tpu.memory_space<vmem>>, vector<16xf32>,
      %mul3A_491 = arith.constant 16 : i32
      %mul3A_492 = arith.muli %scan3A_453, %mul3A_491 : i32
      %add3A_493 = arith.constant 1 : i32
      %add3A_494 = arith.addi %mul3A_492, %add3A_493 : i32
      %get3A_495 = arith.index_cast %add3A_494 : i32 to index
      %get3A_496 = arith.constant 0 : index
      %get3A_497 = tpu.vector_load %arg10[%get3A_495, %get3A_496] {strides = array<i32>} : memref<512x64xf32, #tpu.memory_space<vmem>>, vector<16xf32>,
      %get3A_498 = arith.index_cast %add3A_494 : i32 to index
      %get3A_499 = arith.constant 0 : index
      %get3A_500 = tpu.vector_load %arg11[%get3A_498, %get3A_499] {strides = array<i32>} : memref<512x64xf32, #tpu.memory_space<vmem>>, vector<16xf32>,
      %mul3A_501 = arith.mulf %get3A_497, %get3A_500 : vector<16xf32>
      %get3A_502 = arith.index_cast %add3A_494 : i32 to index
      %get3A_503 = arith.constant 16 : index
      %get3A_504 = tpu.vector_load %arg10[%get3A_502, %get3A_503] {strides = array<i32>} : memref<512x64xf32, #tpu.memory_space<vmem>>, vector<16xf32>,
      %get3A_505 = arith.index_cast %add3A_494 : i32 to index
      %get3A_506 = arith.constant 16 : index
      %get3A_507 = tpu.vector_load %arg11[%get3A_505, %get3A_506] {strides = array<i32>} : memref<512x64xf32, #tpu.memory_space<vmem>>, vector<16xf32>,
      %mul3A_508 = arith.mulf %get3A_504, %get3A_507 : vector<16xf32>
      %add3A_509 = arith.addf %mul3A_501, %mul3A_508 : vector<16xf32>
      %get3A_510 = arith.index_cast %add3A_494 : i32 to index
      %get3A_511 = arith.constant 32 : index
      %get3A_512 = tpu.vector_load %arg10[%get3A_510, %get3A_511] {strides = array<i32>} : memref<512x64xf32, #tpu.memory_space<vmem>>, vector<16xf32>,
      %get3A_513 = arith.index_cast %add3A_494 : i32 to index
      %get3A_514 = arith.constant 32 : index
      %get3A_515 = tpu.vector_load %arg11[%get3A_513, %get3A_514] {strides = array<i32>} : memref<512x64xf32, #tpu.memory_space<vmem>>, vector<16xf32>,
      %mul3A_516 = arith.mulf %get3A_512, %get3A_515 : vector<16xf32>
      %add3A_517 = arith.addf %add3A_509, %mul3A_516 : vector<16xf32>
      %get3A_518 = arith.index_cast %add3A_494 : i32 to index
      %get3A_519 = arith.constant 48 : index
      %get3A_520 = tpu.vector_load %arg10[%get3A_518, %get3A_519] {strides = array<i32>} : memref<512x64xf32, #tpu.memory_space<vmem>>, vector<16xf32>,
      %get3A_521 = arith.index_cast %add3A_494 : i32 to index
      %get3A_522 = arith.constant 48 : index
      %get3A_523 = tpu.vector_load %arg11[%get3A_521, %get3A_522] {strides = array<i32>} : memref<512x64xf32, #tpu.memory_space<vmem>>, vector<16xf32>,
      %mul3A_524 = arith.mulf %get3A_520, %get3A_523 : vector<16xf32>
      %add3A_525 = arith.addf %add3A_517, %mul3A_524 : vector<16xf32>
      %swap3A_526 = arith.constant 16 : index
      %swap3A_527 = tpu.vector_load %arg15[%swap3A_526] {strides = array<i32>} : memref<256xf32, #tpu.memory_space<vmem>>, vector<16xf32>,
      tpu.vector_store %arg15[%swap3A_526], %add3A_525 {strides = array<i32>} : memref<256xf32, #tpu.memory_space<vmem>>, vector<16xf32>,
      %mul3A_528 = arith.constant 16 : i32
      %mul3A_529 = arith.muli %scan3A_453, %mul3A_528 : i32
      %add3A_530 = arith.constant 2 : i32
      %add3A_531 = arith.addi %mul3A_529, %add3A_530 : i32
      %get3A_532 = arith.index_cast %add3A_531 : i32 to index
      %get3A_533 = arith.constant 0 : index
      %get3A_534 = tpu.vector_load %arg10[%get3A_532, %get3A_533] {strides = array<i32>} : memref<512x64xf32, #tpu.memory_space<vmem>>, vector<16xf32>,
      %get3A_535 = arith.index_cast %add3A_531 : i32 to index
      %get3A_536 = arith.constant 0 : index
      %get3A_537 = tpu.vector_load %arg11[%get3A_535, %get3A_536] {strides = array<i32>} : memref<512x64xf32, #tpu.memory_space<vmem>>, vector<16xf32>,
      %mul3A_538 = arith.mulf %get3A_534, %get3A_537 : vector<16xf32>
      %get3A_539 = arith.index_cast %add3A_531 : i32 to index
      %get3A_540 = arith.constant 16 : index
      %get3A_541 = tpu.vector_load %arg10[%get3A_539, %get3A_540] {strides = array<i32>} : memref<512x64xf32, #tpu.memory_space<vmem>>, vector<16xf32>,
      %get3A_542 = arith.index_cast %add3A_531 : i32 to index
      %get3A_543 = arith.constant 16 : index
      %get3A_544 = tpu.vector_load %arg11[%get3A_542, %get3A_543] {strides = array<i32>} : memref<512x64xf32, #tpu.memory_space<vmem>>, vector<16xf32>,
      %mul3A_545 = arith.mulf %get3A_541, %get3A_544 : vector<16xf32>
      %add3A_546 = arith.addf %mul3A_538, %mul3A_545 : vector<16xf32>
      %get3A_547 = arith.index_cast %add3A_531 : i32 to index
      %get3A_548 = arith.constant 32 : index
      %get3A_549 = tpu.vector_load %arg10[%get3A_547, %get3A_548] {strides = array<i32>} : memref<512x64xf32, #tpu.memory_space<vmem>>, vector<16xf32>,
      %get3A_550 = arith.index_cast %add3A_531 : i32 to index
      %get3A_551 = arith.constant 32 : index
      %get3A_552 = tpu.vector_load %arg11[%get3A_550, %get3A_551] {strides = array<i32>} : memref<512x64xf32, #tpu.memory_space<vmem>>, vector<16xf32>,
      %mul3A_553 = arith.mulf %get3A_549, %get3A_552 : vector<16xf32>
      %add3A_554 = arith.addf %add3A_546, %mul3A_553 : vector<16xf32>
      %get3A_555 = arith.index_cast %add3A_531 : i32 to index
      %get3A_556 = arith.constant 48 : index
      %get3A_557 = tpu.vector_load %arg10[%get3A_555, %get3A_556] {strides = array<i32>} : memref<512x64xf32, #tpu.memory_space<vmem>>, vector<16xf32>,
      %get3A_558 = arith.index_cast %add3A_531 : i32 to index
      %get3A_559 = arith.constant 48 : index
      %get3A_560 = tpu.vector_load %arg11[%get3A_558, %get3A_559] {strides = array<i32>} : memref<512x64xf32, #tpu.memory_space<vmem>>, vector<16xf32>,
      %mul3A_561 = arith.mulf %get3A_557, %get3A_560 : vector<16xf32>
      %add3A_562 = arith.addf %add3A_554, %mul3A_561 : vector<16xf32>
      %swap3A_563 = arith.constant 32 : index
      %swap3A_564 = tpu.vector_load %arg15[%swap3A_563] {strides = array<i32>} : memref<256xf32, #tpu.memory_space<vmem>>, vector<16xf32>,
      tpu.vector_store %arg15[%swap3A_563], %add3A_562 {strides = array<i32>} : memref<256xf32, #tpu.memory_space<vmem>>, vector<16xf32>,
      %mul3A_565 = arith.constant 16 : i32
      %mul3A_566 = arith.muli %scan3A_453, %mul3A_565 : i32
      %add3A_567 = arith.constant 3 : i32
      %add3A_568 = arith.addi %mul3A_566, %add3A_567 : i32
      %get3A_569 = arith.index_cast %add3A_568 : i32 to index
      %get3A_570 = arith.constant 0 : index
      %get3A_571 = tpu.vector_load %arg10[%get3A_569, %get3A_570] {strides = array<i32>} : memref<512x64xf32, #tpu.memory_space<vmem>>, vector<16xf32>,
      %get3A_572 = arith.index_cast %add3A_568 : i32 to index
      %get3A_573 = arith.constant 0 : index
      %get3A_574 = tpu.vector_load %arg11[%get3A_572, %get3A_573] {strides = array<i32>} : memref<512x64xf32, #tpu.memory_space<vmem>>, vector<16xf32>,
      %mul3A_575 = arith.mulf %get3A_571, %get3A_574 : vector<16xf32>
      %get3A_576 = arith.index_cast %add3A_568 : i32 to index
      %get3A_577 = arith.constant 16 : index
      %get3A_578 = tpu.vector_load %arg10[%get3A_576, %get3A_577] {strides = array<i32>} : memref<512x64xf32, #tpu.memory_space<vmem>>, vector<16xf32>,
      %get3A_579 = arith.index_cast %add3A_568 : i32 to index
      %get3A_580 = arith.constant 16 : index
      %get3A_581 = tpu.vector_load %arg11[%get3A_579, %get3A_580] {strides = array<i32>} : memref<512x64xf32, #tpu.memory_space<vmem>>, vector<16xf32>,
      %mul3A_582 = arith.mulf %get3A_578, %get3A_581 : vector<16xf32>
      %add3A_583 = arith.addf %mul3A_575, %mul3A_582 : vector<16xf32>
      %get3A_584 = arith.index_cast %add3A_568 : i32 to index
      %get3A_585 = arith.constant 32 : index
      %get3A_586 = tpu.vector_load %arg10[%get3A_584, %get3A_585] {strides = array<i32>} : memref<512x64xf32, #tpu.memory_space<vmem>>, vector<16xf32>,
      %get3A_587 = arith.index_cast %add3A_568 : i32 to index
      %get3A_588 = arith.constant 32 : index
      %get3A_589 = tpu.vector_load %arg11[%get3A_587, %get3A_588] {strides = array<i32>} : memref<512x64xf32, #tpu.memory_space<vmem>>, vector<16xf32>,
      %mul3A_590 = arith.mulf %get3A_586, %get3A_589 : vector<16xf32>
      %add3A_591 = arith.addf %add3A_583, %mul3A_590 : vector<16xf32>
      %get3A_592 = arith.index_cast %add3A_568 : i32 to index
      %get3A_593 = arith.constant 48 : index
      %get3A_594 = tpu.vector_load %arg10[%get3A_592, %get3A_593] {strides = array<i32>} : memref<512x64xf32, #tpu.memory_space<vmem>>, vector<16xf32>,
      %get3A_595 = arith.index_cast %add3A_568 : i32 to index
      %get3A_596 = arith.constant 48 : index
      %get3A_597 = tpu.vector_load %arg11[%get3A_595, %get3A_596] {strides = array<i32>} : memref<512x64xf32, #tpu.memory_space<vmem>>, vector<16xf32>,
      %mul3A_598 = arith.mulf %get3A_594, %get3A_597 : vector<16xf32>
      %add3A_599 = arith.addf %add3A_591, %mul3A_598 : vector<16xf32>
      %swap3A_600 = arith.constant 48 : index
      %swap3A_601 = tpu.vector_load %arg15[%swap3A_600] {strides = array<i32>} : memref<256xf32, #tpu.memory_space<vmem>>, vector<16xf32>,
      tpu.vector_store %arg15[%swap3A_600], %add3A_599 {strides = array<i32>} : memref<256xf32, #tpu.memory_space<vmem>>, vector<16xf32>,
      %mul3A_602 = arith.constant 16 : i32
      %mul3A_603 = arith.muli %scan3A_453, %mul3A_602 : i32
      %add3A_604 = arith.constant 4 : i32
      %add3A_605 = arith.addi %mul3A_603, %add3A_604 : i32
      %get3A_606 = arith.index_cast %add3A_605 : i32 to index
      %get3A_607 = arith.constant 0 : index
      %get3A_608 = tpu.vector_load %arg10[%get3A_606, %get3A_607] {strides = array<i32>} : memref<512x64xf32, #tpu.memory_space<vmem>>, vector<16xf32>,
      %get3A_609 = arith.index_cast %add3A_605 : i32 to index
      %get3A_610 = arith.constant 0 : index
      %get3A_611 = tpu.vector_load %arg11[%get3A_609, %get3A_610] {strides = array<i32>} : memref<512x64xf32, #tpu.memory_space<vmem>>, vector<16xf32>,
      %mul3A_612 = arith.mulf %get3A_608, %get3A_611 : vector<16xf32>
      %get3A_613 = arith.index_cast %add3A_605 : i32 to index
      %get3A_614 = arith.constant 16 : index
      %get3A_615 = tpu.vector_load %arg10[%get3A_613, %get3A_614] {strides = array<i32>} : memref<512x64xf32, #tpu.memory_space<vmem>>, vector<16xf32>,
      %get3A_616 = arith.index_cast %add3A_605 : i32 to index
      %get3A_617 = arith.constant 16 : index
      %get3A_618 = tpu.vector_load %arg11[%get3A_616, %get3A_617] {strides = array<i32>} : memref<512x64xf32, #tpu.memory_space<vmem>>, vector<16xf32>,
      %mul3A_619 = arith.mulf %get3A_615, %get3A_618 : vector<16xf32>
      %add3A_620 = arith.addf %mul3A_612, %mul3A_619 : vector<16xf32>
      %get3A_621 = arith.index_cast %add3A_605 : i32 to index
      %get3A_622 = arith.constant 32 : index
      %get3A_623 = tpu.vector_load %arg10[%get3A_621, %get3A_622] {strides = array<i32>} : memref<512x64xf32, #tpu.memory_space<vmem>>, vector<16xf32>,
      %get3A_624 = arith.index_cast %add3A_605 : i32 to index
      %get3A_625 = arith.constant 32 : index
      %get3A_626 = tpu.vector_load %arg11[%get3A_624, %get3A_625] {strides = array<i32>} : memref<512x64xf32, #tpu.memory_space<vmem>>, vector<16xf32>,
      %mul3A_627 = arith.mulf %get3A_623, %get3A_626 : vector<16xf32>
      %add3A_628 = arith.addf %add3A_620, %mul3A_627 : vector<16xf32>
      %get3A_629 = arith.index_cast %add3A_605 : i32 to index
      %get3A_630 = arith.constant 48 : index
      %get3A_631 = tpu.vector_load %arg10[%get3A_629, %get3A_630] {strides = array<i32>} : memref<512x64xf32, #tpu.memory_space<vmem>>, vector<16xf32>,
      %get3A_632 = arith.index_cast %add3A_605 : i32 to index
      %get3A_633 = arith.constant 48 : index
      %get3A_634 = tpu.vector_load %arg11[%get3A_632, %get3A_633] {strides = array<i32>} : memref<512x64xf32, #tpu.memory_space<vmem>>, vector<16xf32>,
      %mul3A_635 = arith.mulf %get3A_631, %get3A_634 : vector<16xf32>
      %add3A_636 = arith.addf %add3A_628, %mul3A_635 : vector<16xf32>
      %swap3A_637 = arith.constant 64 : index
      %swap3A_638 = tpu.vector_load %arg15[%swap3A_637] {strides = array<i32>} : memref<256xf32, #tpu.memory_space<vmem>>, vector<16xf32>,
      tpu.vector_store %arg15[%swap3A_637], %add3A_636 {strides = array<i32>} : memref<256xf32, #tpu.memory_space<vmem>>, vector<16xf32>,
      %mul3A_639 = arith.constant 16 : i32
      %mul3A_640 = arith.muli %scan3A_453, %mul3A_639 : i32
      %add3A_641 = arith.constant 5 : i32
      %add3A_642 = arith.addi %mul3A_640, %add3A_641 : i32
      %get3A_643 = arith.index_cast %add3A_642 : i32 to index
      %get3A_644 = arith.constant 0 : index
      %get3A_645 = tpu.vector_load %arg10[%get3A_643, %get3A_644] {strides = array<i32>} : memref<512x64xf32, #tpu.memory_space<vmem>>, vector<16xf32>,
      %get3A_646 = arith.index_cast %add3A_642 : i32 to index
      %get3A_647 = arith.constant 0 : index
      %get3A_648 = tpu.vector_load %arg11[%get3A_646, %get3A_647] {strides = array<i32>} : memref<512x64xf32, #tpu.memory_space<vmem>>, vector<16xf32>,
      %mul3A_649 = arith.mulf %get3A_645, %get3A_648 : vector<16xf32>
      %get3A_650 = arith.index_cast %add3A_642 : i32 to index
      %get3A_651 = arith.constant 16 : index
      %get3A_652 = tpu.vector_load %arg10[%get3A_650, %get3A_651] {strides = array<i32>} : memref<512x64xf32, #tpu.memory_space<vmem>>, vector<16xf32>,
      %get3A_653 = arith.index_cast %add3A_642 : i32 to index
      %get3A_654 = arith.constant 16 : index
      %get3A_655 = tpu.vector_load %arg11[%get3A_653, %get3A_654] {strides = array<i32>} : memref<512x64xf32, #tpu.memory_space<vmem>>, vector<16xf32>,
      %mul3A_656 = arith.mulf %get3A_652, %get3A_655 : vector<16xf32>
      %add3A_657 = arith.addf %mul3A_649, %mul3A_656 : vector<16xf32>
      %get3A_658 = arith.index_cast %add3A_642 : i32 to index
      %get3A_659 = arith.constant 32 : index
      %get3A_660 = tpu.vector_load %arg10[%get3A_658, %get3A_659] {strides = array<i32>} : memref<512x64xf32, #tpu.memory_space<vmem>>, vector<16xf32>,
      %get3A_661 = arith.index_cast %add3A_642 : i32 to index
      %get3A_662 = arith.constant 32 : index
      %get3A_663 = tpu.vector_load %arg11[%get3A_661, %get3A_662] {strides = array<i32>} : memref<512x64xf32, #tpu.memory_space<vmem>>, vector<16xf32>,
      %mul3A_664 = arith.mulf %get3A_660, %get3A_663 : vector<16xf32>
      %add3A_665 = arith.addf %add3A_657, %mul3A_664 : vector<16xf32>
      %get3A_666 = arith.index_cast %add3A_642 : i32 to index
      %get3A_667 = arith.constant 48 : index
      %get3A_668 = tpu.vector_load %arg10[%get3A_666, %get3A_667] {strides = array<i32>} : memref<512x64xf32, #tpu.memory_space<vmem>>, vector<16xf32>,
      %get3A_669 = arith.index_cast %add3A_642 : i32 to index
      %get3A_670 = arith.constant 48 : index
      %get3A_671 = tpu.vector_load %arg11[%get3A_669, %get3A_670] {strides = array<i32>} : memref<512x64xf32, #tpu.memory_space<vmem>>, vector<16xf32>,
      %mul3A_672 = arith.mulf %get3A_668, %get3A_671 : vector<16xf32>
      %add3A_673 = arith.addf %add3A_665, %mul3A_672 : vector<16xf32>
      %swap3A_674 = arith.constant 80 : index
      %swap3A_675 = tpu.vector_load %arg15[%swap3A_674] {strides = array<i32>} : memref<256xf32, #tpu.memory_space<vmem>>, vector<16xf32>,
      tpu.vector_store %arg15[%swap3A_674], %add3A_673 {strides = array<i32>} : memref<256xf32, #tpu.memory_space<vmem>>, vector<16xf32>,
      %mul3A_676 = arith.constant 16 : i32
      %mul3A_677 = arith.muli %scan3A_453, %mul3A_676 : i32
      %add3A_678 = arith.constant 6 : i32
      %add3A_679 = arith.addi %mul3A_677, %add3A_678 : i32
      %get3A_680 = arith.index_cast %add3A_679 : i32 to index
      %get3A_681 = arith.constant 0 : index
      %get3A_682 = tpu.vector_load %arg10[%get3A_680, %get3A_681] {strides = array<i32>} : memref<512x64xf32, #tpu.memory_space<vmem>>, vector<16xf32>,
      %get3A_683 = arith.index_cast %add3A_679 : i32 to index
      %get3A_684 = arith.constant 0 : index
      %get3A_685 = tpu.vector_load %arg11[%get3A_683, %get3A_684] {strides = array<i32>} : memref<512x64xf32, #tpu.memory_space<vmem>>, vector<16xf32>,
      %mul3A_686 = arith.mulf %get3A_682, %get3A_685 : vector<16xf32>
      %get3A_687 = arith.index_cast %add3A_679 : i32 to index
      %get3A_688 = arith.constant 16 : index
      %get3A_689 = tpu.vector_load %arg10[%get3A_687, %get3A_688] {strides = array<i32>} : memref<512x64xf32, #tpu.memory_space<vmem>>, vector<16xf32>,
      %get3A_690 = arith.index_cast %add3A_679 : i32 to index
      %get3A_691 = arith.constant 16 : index
      %get3A_692 = tpu.vector_load %arg11[%get3A_690, %get3A_691] {strides = array<i32>} : memref<512x64xf32, #tpu.memory_space<vmem>>, vector<16xf32>,
      %mul3A_693 = arith.mulf %get3A_689, %get3A_692 : vector<16xf32>
      %add3A_694 = arith.addf %mul3A_686, %mul3A_693 : vector<16xf32>
      %get3A_695 = arith.index_cast %add3A_679 : i32 to index
      %get3A_696 = arith.constant 32 : index
      %get3A_697 = tpu.vector_load %arg10[%get3A_695, %get3A_696] {strides = array<i32>} : memref<512x64xf32, #tpu.memory_space<vmem>>, vector<16xf32>,
      %get3A_698 = arith.index_cast %add3A_679 : i32 to index
      %get3A_699 = arith.constant 32 : index
      %get3A_700 = tpu.vector_load %arg11[%get3A_698, %get3A_699] {strides = array<i32>} : memref<512x64xf32, #tpu.memory_space<vmem>>, vector<16xf32>,
      %mul3A_701 = arith.mulf %get3A_697, %get3A_700 : vector<16xf32>
      %add3A_702 = arith.addf %add3A_694, %mul3A_701 : vector<16xf32>
      %get3A_703 = arith.index_cast %add3A_679 : i32 to index
      %get3A_704 = arith.constant 48 : index
      %get3A_705 = tpu.vector_load %arg10[%get3A_703, %get3A_704] {strides = array<i32>} : memref<512x64xf32, #tpu.memory_space<vmem>>, vector<16xf32>,
      %get3A_706 = arith.index_cast %add3A_679 : i32 to index
      %get3A_707 = arith.constant 48 : index
      %get3A_708 = tpu.vector_load %arg11[%get3A_706, %get3A_707] {strides = array<i32>} : memref<512x64xf32, #tpu.memory_space<vmem>>, vector<16xf32>,
      %mul3A_709 = arith.mulf %get3A_705, %get3A_708 : vector<16xf32>
      %add3A_710 = arith.addf %add3A_702, %mul3A_709 : vector<16xf32>
      %swap3A_711 = arith.constant 96 : index
      %swap3A_712 = tpu.vector_load %arg15[%swap3A_711] {strides = array<i32>} : memref<256xf32, #tpu.memory_space<vmem>>, vector<16xf32>,
      tpu.vector_store %arg15[%swap3A_711], %add3A_710 {strides = array<i32>} : memref<256xf32, #tpu.memory_space<vmem>>, vector<16xf32>,
      %mul3A_713 = arith.constant 16 : i32
      %mul3A_714 = arith.muli %scan3A_453, %mul3A_713 : i32
      %add3A_715 = arith.constant 7 : i32
      %add3A_716 = arith.addi %mul3A_714, %add3A_715 : i32
      %get3A_717 = arith.index_cast %add3A_716 : i32 to index
      %get3A_718 = arith.constant 0 : index
      %get3A_719 = tpu.vector_load %arg10[%get3A_717, %get3A_718] {strides = array<i32>} : memref<512x64xf32, #tpu.memory_space<vmem>>, vector<16xf32>,
      %get3A_720 = arith.index_cast %add3A_716 : i32 to index
      %get3A_721 = arith.constant 0 : index
      %get3A_722 = tpu.vector_load %arg11[%get3A_720, %get3A_721] {strides = array<i32>} : memref<512x64xf32, #tpu.memory_space<vmem>>, vector<16xf32>,
      %mul3A_723 = arith.mulf %get3A_719, %get3A_722 : vector<16xf32>
      %get3A_724 = arith.index_cast %add3A_716 : i32 to index
      %get3A_725 = arith.constant 16 : index
      %get3A_726 = tpu.vector_load %arg10[%get3A_724, %get3A_725] {strides = array<i32>} : memref<512x64xf32, #tpu.memory_space<vmem>>, vector<16xf32>,
      %get3A_727 = arith.index_cast %add3A_716 : i32 to index
      %get3A_728 = arith.constant 16 : index
      %get3A_729 = tpu.vector_load %arg11[%get3A_727, %get3A_728] {strides = array<i32>} : memref<512x64xf32, #tpu.memory_space<vmem>>, vector<16xf32>,
      %mul3A_730 = arith.mulf %get3A_726, %get3A_729 : vector<16xf32>
      %add3A_731 = arith.addf %mul3A_723, %mul3A_730 : vector<16xf32>
      %get3A_732 = arith.index_cast %add3A_716 : i32 to index
      %get3A_733 = arith.constant 32 : index
      %get3A_734 = tpu.vector_load %arg10[%get3A_732, %get3A_733] {strides = array<i32>} : memref<512x64xf32, #tpu.memory_space<vmem>>, vector<16xf32>,
      %get3A_735 = arith.index_cast %add3A_716 : i32 to index
      %get3A_736 = arith.constant 32 : index
      %get3A_737 = tpu.vector_load %arg11[%get3A_735, %get3A_736] {strides = array<i32>} : memref<512x64xf32, #tpu.memory_space<vmem>>, vector<16xf32>,
      %mul3A_738 = arith.mulf %get3A_734, %get3A_737 : vector<16xf32>
      %add3A_739 = arith.addf %add3A_731, %mul3A_738 : vector<16xf32>
      %get3A_740 = arith.index_cast %add3A_716 : i32 to index
      %get3A_741 = arith.constant 48 : index
      %get3A_742 = tpu.vector_load %arg10[%get3A_740, %get3A_741] {strides = array<i32>} : memref<512x64xf32, #tpu.memory_space<vmem>>, vector<16xf32>,
      %get3A_743 = arith.index_cast %add3A_716 : i32 to index
      %get3A_744 = arith.constant 48 : index
      %get3A_745 = tpu.vector_load %arg11[%get3A_743, %get3A_744] {strides = array<i32>} : memref<512x64xf32, #tpu.memory_space<vmem>>, vector<16xf32>,
      %mul3A_746 = arith.mulf %get3A_742, %get3A_745 : vector<16xf32>
      %add3A_747 = arith.addf %add3A_739, %mul3A_746 : vector<16xf32>
      %swap3A_748 = arith.constant 112 : index
      %swap3A_749 = tpu.vector_load %arg15[%swap3A_748] {strides = array<i32>} : memref<256xf32, #tpu.memory_space<vmem>>, vector<16xf32>,
      tpu.vector_store %arg15[%swap3A_748], %add3A_747 {strides = array<i32>} : memref<256xf32, #tpu.memory_space<vmem>>, vector<16xf32>,
      %mul3A_750 = arith.constant 16 : i32
      %mul3A_751 = arith.muli %scan3A_453, %mul3A_750 : i32
      %add3A_752 = arith.constant 8 : i32
      %add3A_753 = arith.addi %mul3A_751, %add3A_752 : i32
      %get3A_754 = arith.index_cast %add3A_753 : i32 to index
      %get3A_755 = arith.constant 0 : index
      %get3A_756 = tpu.vector_load %arg10[%get3A_754, %get3A_755] {strides = array<i32>} : memref<512x64xf32, #tpu.memory_space<vmem>>, vector<16xf32>,
      %get3A_757 = arith.index_cast %add3A_753 : i32 to index
      %get3A_758 = arith.constant 0 : index
      %get3A_759 = tpu.vector_load %arg11[%get3A_757, %get3A_758] {strides = array<i32>} : memref<512x64xf32, #tpu.memory_space<vmem>>, vector<16xf32>,
      %mul3A_760 = arith.mulf %get3A_756, %get3A_759 : vector<16xf32>
      %get3A_761 = arith.index_cast %add3A_753 : i32 to index
      %get3A_762 = arith.constant 16 : index
      %get3A_763 = tpu.vector_load %arg10[%get3A_761, %get3A_762] {strides = array<i32>} : memref<512x64xf32, #tpu.memory_space<vmem>>, vector<16xf32>,
      %get3A_764 = arith.index_cast %add3A_753 : i32 to index
      %get3A_765 = arith.constant 16 : index
      %get3A_766 = tpu.vector_load %arg11[%get3A_764, %get3A_765] {strides = array<i32>} : memref<512x64xf32, #tpu.memory_space<vmem>>, vector<16xf32>,
      %mul3A_767 = arith.mulf %get3A_763, %get3A_766 : vector<16xf32>
      %add3A_768 = arith.addf %mul3A_760, %mul3A_767 : vector<16xf32>
      %get3A_769 = arith.index_cast %add3A_753 : i32 to index
      %get3A_770 = arith.constant 32 : index
      %get3A_771 = tpu.vector_load %arg10[%get3A_769, %get3A_770] {strides = array<i32>} : memref<512x64xf32, #tpu.memory_space<vmem>>, vector<16xf32>,
      %get3A_772 = arith.index_cast %add3A_753 : i32 to index
      %get3A_773 = arith.constant 32 : index
      %get3A_774 = tpu.vector_load %arg11[%get3A_772, %get3A_773] {strides = array<i32>} : memref<512x64xf32, #tpu.memory_space<vmem>>, vector<16xf32>,
      %mul3A_775 = arith.mulf %get3A_771, %get3A_774 : vector<16xf32>
      %add3A_776 = arith.addf %add3A_768, %mul3A_775 : vector<16xf32>
      %get3A_777 = arith.index_cast %add3A_753 : i32 to index
      %get3A_778 = arith.constant 48 : index
      %get3A_779 = tpu.vector_load %arg10[%get3A_777, %get3A_778] {strides = array<i32>} : memref<512x64xf32, #tpu.memory_space<vmem>>, vector<16xf32>,
      %get3A_780 = arith.index_cast %add3A_753 : i32 to index
      %get3A_781 = arith.constant 48 : index
      %get3A_782 = tpu.vector_load %arg11[%get3A_780, %get3A_781] {strides = array<i32>} : memref<512x64xf32, #tpu.memory_space<vmem>>, vector<16xf32>,
      %mul3A_783 = arith.mulf %get3A_779, %get3A_782 : vector<16xf32>
      %add3A_784 = arith.addf %add3A_776, %mul3A_783 : vector<16xf32>
      %swap3A_785 = arith.constant 128 : index
      %swap3A_786 = tpu.vector_load %arg15[%swap3A_785] {strides = array<i32>} : memref<256xf32, #tpu.memory_space<vmem>>, vector<16xf32>,
      tpu.vector_store %arg15[%swap3A_785], %add3A_784 {strides = array<i32>} : memref<256xf32, #tpu.memory_space<vmem>>, vector<16xf32>,
      %mul3A_787 = arith.constant 16 : i32
      %mul3A_788 = arith.muli %scan3A_453, %mul3A_787 : i32
      %add3A_789 = arith.constant 9 : i32
      %add3A_790 = arith.addi %mul3A_788, %add3A_789 : i32
      %get3A_791 = arith.index_cast %add3A_790 : i32 to index
      %get3A_792 = arith.constant 0 : index
      %get3A_793 = tpu.vector_load %arg10[%get3A_791, %get3A_792] {strides = array<i32>} : memref<512x64xf32, #tpu.memory_space<vmem>>, vector<16xf32>,
      %get3A_794 = arith.index_cast %add3A_790 : i32 to index
      %get3A_795 = arith.constant 0 : index
      %get3A_796 = tpu.vector_load %arg11[%get3A_794, %get3A_795] {strides = array<i32>} : memref<512x64xf32, #tpu.memory_space<vmem>>, vector<16xf32>,
      %mul3A_797 = arith.mulf %get3A_793, %get3A_796 : vector<16xf32>
      %get3A_798 = arith.index_cast %add3A_790 : i32 to index
      %get3A_799 = arith.constant 16 : index
      %get3A_800 = tpu.vector_load %arg10[%get3A_798, %get3A_799] {strides = array<i32>} : memref<512x64xf32, #tpu.memory_space<vmem>>, vector<16xf32>,
      %get3A_801 = arith.index_cast %add3A_790 : i32 to index
      %get3A_802 = arith.constant 16 : index
      %get3A_803 = tpu.vector_load %arg11[%get3A_801, %get3A_802] {strides = array<i32>} : memref<512x64xf32, #tpu.memory_space<vmem>>, vector<16xf32>,
      %mul3A_804 = arith.mulf %get3A_800, %get3A_803 : vector<16xf32>
      %add3A_805 = arith.addf %mul3A_797, %mul3A_804 : vector<16xf32>
      %get3A_806 = arith.index_cast %add3A_790 : i32 to index
      %get3A_807 = arith.constant 32 : index
      %get3A_808 = tpu.vector_load %arg10[%get3A_806, %get3A_807] {strides = array<i32>} : memref<512x64xf32, #tpu.memory_space<vmem>>, vector<16xf32>,
      %get3A_809 = arith.index_cast %add3A_790 : i32 to index
      %get3A_810 = arith.constant 32 : index
      %get3A_811 = tpu.vector_load %arg11[%get3A_809, %get3A_810] {strides = array<i32>} : memref<512x64xf32, #tpu.memory_space<vmem>>, vector<16xf32>,
      %mul3A_812 = arith.mulf %get3A_808, %get3A_811 : vector<16xf32>
      %add3A_813 = arith.addf %add3A_805, %mul3A_812 : vector<16xf32>
      %get3A_814 = arith.index_cast %add3A_790 : i32 to index
      %get3A_815 = arith.constant 48 : index
      %get3A_816 = tpu.vector_load %arg10[%get3A_814, %get3A_815] {strides = array<i32>} : memref<512x64xf32, #tpu.memory_space<vmem>>, vector<16xf32>,
      %get3A_817 = arith.index_cast %add3A_790 : i32 to index
      %get3A_818 = arith.constant 48 : index
      %get3A_819 = tpu.vector_load %arg11[%get3A_817, %get3A_818] {strides = array<i32>} : memref<512x64xf32, #tpu.memory_space<vmem>>, vector<16xf32>,
      %mul3A_820 = arith.mulf %get3A_816, %get3A_819 : vector<16xf32>
      %add3A_821 = arith.addf %add3A_813, %mul3A_820 : vector<16xf32>
      %swap3A_822 = arith.constant 144 : index
      %swap3A_823 = tpu.vector_load %arg15[%swap3A_822] {strides = array<i32>} : memref<256xf32, #tpu.memory_space<vmem>>, vector<16xf32>,
      tpu.vector_store %arg15[%swap3A_822], %add3A_821 {strides = array<i32>} : memref<256xf32, #tpu.memory_space<vmem>>, vector<16xf32>,
      %mul3A_824 = arith.constant 16 : i32
      %mul3A_825 = arith.muli %scan3A_453, %mul3A_824 : i32
      %add3A_826 = arith.constant 10 : i32
      %add3A_827 = arith.addi %mul3A_825, %add3A_826 : i32
      %get3A_828 = arith.index_cast %add3A_827 : i32 to index
      %get3A_829 = arith.constant 0 : index
      %get3A_830 = tpu.vector_load %arg10[%get3A_828, %get3A_829] {strides = array<i32>} : memref<512x64xf32, #tpu.memory_space<vmem>>, vector<16xf32>,
      %get3A_831 = arith.index_cast %add3A_827 : i32 to index
      %get3A_832 = arith.constant 0 : index
      %get3A_833 = tpu.vector_load %arg11[%get3A_831, %get3A_832] {strides = array<i32>} : memref<512x64xf32, #tpu.memory_space<vmem>>, vector<16xf32>,
      %mul3A_834 = arith.mulf %get3A_830, %get3A_833 : vector<16xf32>
      %get3A_835 = arith.index_cast %add3A_827 : i32 to index
      %get3A_836 = arith.constant 16 : index
      %get3A_837 = tpu.vector_load %arg10[%get3A_835, %get3A_836] {strides = array<i32>} : memref<512x64xf32, #tpu.memory_space<vmem>>, vector<16xf32>,
      %get3A_838 = arith.index_cast %add3A_827 : i32 to index
      %get3A_839 = arith.constant 16 : index
      %get3A_840 = tpu.vector_load %arg11[%get3A_838, %get3A_839] {strides = array<i32>} : memref<512x64xf32, #tpu.memory_space<vmem>>, vector<16xf32>,
      %mul3A_841 = arith.mulf %get3A_837, %get3A_840 : vector<16xf32>
      %add3A_842 = arith.addf %mul3A_834, %mul3A_841 : vector<16xf32>
      %get3A_843 = arith.index_cast %add3A_827 : i32 to index
      %get3A_844 = arith.constant 32 : index
      %get3A_845 = tpu.vector_load %arg10[%get3A_843, %get3A_844] {strides = array<i32>} : memref<512x64xf32, #tpu.memory_space<vmem>>, vector<16xf32>,
      %get3A_846 = arith.index_cast %add3A_827 : i32 to index
      %get3A_847 = arith.constant 32 : index
      %get3A_848 = tpu.vector_load %arg11[%get3A_846, %get3A_847] {strides = array<i32>} : memref<512x64xf32, #tpu.memory_space<vmem>>, vector<16xf32>,
      %mul3A_849 = arith.mulf %get3A_845, %get3A_848 : vector<16xf32>
      %add3A_850 = arith.addf %add3A_842, %mul3A_849 : vector<16xf32>
      %get3A_851 = arith.index_cast %add3A_827 : i32 to index
      %get3A_852 = arith.constant 48 : index
      %get3A_853 = tpu.vector_load %arg10[%get3A_851, %get3A_852] {strides = array<i32>} : memref<512x64xf32, #tpu.memory_space<vmem>>, vector<16xf32>,
      %get3A_854 = arith.index_cast %add3A_827 : i32 to index
      %get3A_855 = arith.constant 48 : index
      %get3A_856 = tpu.vector_load %arg11[%get3A_854, %get3A_855] {strides = array<i32>} : memref<512x64xf32, #tpu.memory_space<vmem>>, vector<16xf32>,
      %mul3A_857 = arith.mulf %get3A_853, %get3A_856 : vector<16xf32>
      %add3A_858 = arith.addf %add3A_850, %mul3A_857 : vector<16xf32>
      %swap3A_859 = arith.constant 160 : index
      %swap3A_860 = tpu.vector_load %arg15[%swap3A_859] {strides = array<i32>} : memref<256xf32, #tpu.memory_space<vmem>>, vector<16xf32>,
      tpu.vector_store %arg15[%swap3A_859], %add3A_858 {strides = array<i32>} : memref<256xf32, #tpu.memory_space<vmem>>, vector<16xf32>,
      %mul3A_861 = arith.constant 16 : i32
      %mul3A_862 = arith.muli %scan3A_453, %mul3A_861 : i32
      %add3A_863 = arith.constant 11 : i32
      %add3A_864 = arith.addi %mul3A_862, %add3A_863 : i32
      %get3A_865 = arith.index_cast %add3A_864 : i32 to index
      %get3A_866 = arith.constant 0 : index
      %get3A_867 = tpu.vector_load %arg10[%get3A_865, %get3A_866] {strides = array<i32>} : memref<512x64xf32, #tpu.memory_space<vmem>>, vector<16xf32>,
      %get3A_868 = arith.index_cast %add3A_864 : i32 to index
      %get3A_869 = arith.constant 0 : index
      %get3A_870 = tpu.vector_load %arg11[%get3A_868, %get3A_869] {strides = array<i32>} : memref<512x64xf32, #tpu.memory_space<vmem>>, vector<16xf32>,
      %mul3A_871 = arith.mulf %get3A_867, %get3A_870 : vector<16xf32>
      %get3A_872 = arith.index_cast %add3A_864 : i32 to index
      %get3A_873 = arith.constant 16 : index
      %get3A_874 = tpu.vector_load %arg10[%get3A_872, %get3A_873] {strides = array<i32>} : memref<512x64xf32, #tpu.memory_space<vmem>>, vector<16xf32>,
      %get3A_875 = arith.index_cast %add3A_864 : i32 to index
      %get3A_876 = arith.constant 16 : index
      %get3A_877 = tpu.vector_load %arg11[%get3A_875, %get3A_876] {strides = array<i32>} : memref<512x64xf32, #tpu.memory_space<vmem>>, vector<16xf32>,
      %mul3A_878 = arith.mulf %get3A_874, %get3A_877 : vector<16xf32>
      %add3A_879 = arith.addf %mul3A_871, %mul3A_878 : vector<16xf32>
      %get3A_880 = arith.index_cast %add3A_864 : i32 to index
      %get3A_881 = arith.constant 32 : index
      %get3A_882 = tpu.vector_load %arg10[%get3A_880, %get3A_881] {strides = array<i32>} : memref<512x64xf32, #tpu.memory_space<vmem>>, vector<16xf32>,
      %get3A_883 = arith.index_cast %add3A_864 : i32 to index
      %get3A_884 = arith.constant 32 : index
      %get3A_885 = tpu.vector_load %arg11[%get3A_883, %get3A_884] {strides = array<i32>} : memref<512x64xf32, #tpu.memory_space<vmem>>, vector<16xf32>,
      %mul3A_886 = arith.mulf %get3A_882, %get3A_885 : vector<16xf32>
      %add3A_887 = arith.addf %add3A_879, %mul3A_886 : vector<16xf32>
      %get3A_888 = arith.index_cast %add3A_864 : i32 to index
      %get3A_889 = arith.constant 48 : index
      %get3A_890 = tpu.vector_load %arg10[%get3A_888, %get3A_889] {strides = array<i32>} : memref<512x64xf32, #tpu.memory_space<vmem>>, vector<16xf32>,
      %get3A_891 = arith.index_cast %add3A_864 : i32 to index
      %get3A_892 = arith.constant 48 : index
      %get3A_893 = tpu.vector_load %arg11[%get3A_891, %get3A_892] {strides = array<i32>} : memref<512x64xf32, #tpu.memory_space<vmem>>, vector<16xf32>,
      %mul3A_894 = arith.mulf %get3A_890, %get3A_893 : vector<16xf32>
      %add3A_895 = arith.addf %add3A_887, %mul3A_894 : vector<16xf32>
      %swap3A_896 = arith.constant 176 : index
      %swap3A_897 = tpu.vector_load %arg15[%swap3A_896] {strides = array<i32>} : memref<256xf32, #tpu.memory_space<vmem>>, vector<16xf32>,
      tpu.vector_store %arg15[%swap3A_896], %add3A_895 {strides = array<i32>} : memref<256xf32, #tpu.memory_space<vmem>>, vector<16xf32>,
      %mul3A_898 = arith.constant 16 : i32
      %mul3A_899 = arith.muli %scan3A_453, %mul3A_898 : i32
      %add3A_900 = arith.constant 12 : i32
      %add3A_901 = arith.addi %mul3A_899, %add3A_900 : i32
      %get3A_902 = arith.index_cast %add3A_901 : i32 to index
      %get3A_903 = arith.constant 0 : index
      %get3A_904 = tpu.vector_load %arg10[%get3A_902, %get3A_903] {strides = array<i32>} : memref<512x64xf32, #tpu.memory_space<vmem>>, vector<16xf32>,
      %get3A_905 = arith.index_cast %add3A_901 : i32 to index
      %get3A_906 = arith.constant 0 : index
      %get3A_907 = tpu.vector_load %arg11[%get3A_905, %get3A_906] {strides = array<i32>} : memref<512x64xf32, #tpu.memory_space<vmem>>, vector<16xf32>,
      %mul3A_908 = arith.mulf %get3A_904, %get3A_907 : vector<16xf32>
      %get3A_909 = arith.index_cast %add3A_901 : i32 to index
      %get3A_910 = arith.constant 16 : index
      %get3A_911 = tpu.vector_load %arg10[%get3A_909, %get3A_910] {strides = array<i32>} : memref<512x64xf32, #tpu.memory_space<vmem>>, vector<16xf32>,
      %get3A_912 = arith.index_cast %add3A_901 : i32 to index
      %get3A_913 = arith.constant 16 : index
      %get3A_914 = tpu.vector_load %arg11[%get3A_912, %get3A_913] {strides = array<i32>} : memref<512x64xf32, #tpu.memory_space<vmem>>, vector<16xf32>,
      %mul3A_915 = arith.mulf %get3A_911, %get3A_914 : vector<16xf32>
      %add3A_916 = arith.addf %mul3A_908, %mul3A_915 : vector<16xf32>
      %get3A_917 = arith.index_cast %add3A_901 : i32 to index
      %get3A_918 = arith.constant 32 : index
      %get3A_919 = tpu.vector_load %arg10[%get3A_917, %get3A_918] {strides = array<i32>} : memref<512x64xf32, #tpu.memory_space<vmem>>, vector<16xf32>,
      %get3A_920 = arith.index_cast %add3A_901 : i32 to index
      %get3A_921 = arith.constant 32 : index
      %get3A_922 = tpu.vector_load %arg11[%get3A_920, %get3A_921] {strides = array<i32>} : memref<512x64xf32, #tpu.memory_space<vmem>>, vector<16xf32>,
      %mul3A_923 = arith.mulf %get3A_919, %get3A_922 : vector<16xf32>
      %add3A_924 = arith.addf %add3A_916, %mul3A_923 : vector<16xf32>
      %get3A_925 = arith.index_cast %add3A_901 : i32 to index
      %get3A_926 = arith.constant 48 : index
      %get3A_927 = tpu.vector_load %arg10[%get3A_925, %get3A_926] {strides = array<i32>} : memref<512x64xf32, #tpu.memory_space<vmem>>, vector<16xf32>,
      %get3A_928 = arith.index_cast %add3A_901 : i32 to index
      %get3A_929 = arith.constant 48 : index
      %get3A_930 = tpu.vector_load %arg11[%get3A_928, %get3A_929] {strides = array<i32>} : memref<512x64xf32, #tpu.memory_space<vmem>>, vector<16xf32>,
      %mul3A_931 = arith.mulf %get3A_927, %get3A_930 : vector<16xf32>
      %add3A_932 = arith.addf %add3A_924, %mul3A_931 : vector<16xf32>
      %swap3A_933 = arith.constant 192 : index
      %swap3A_934 = tpu.vector_load %arg15[%swap3A_933] {strides = array<i32>} : memref<256xf32, #tpu.memory_space<vmem>>, vector<16xf32>,
      tpu.vector_store %arg15[%swap3A_933], %add3A_932 {strides = array<i32>} : memref<256xf32, #tpu.memory_space<vmem>>, vector<16xf32>,
      %mul3A_935 = arith.constant 16 : i32
      %mul3A_936 = arith.muli %scan3A_453, %mul3A_935 : i32
      %add3A_937 = arith.constant 13 : i32
      %add3A_938 = arith.addi %mul3A_936, %add3A_937 : i32
      %get3A_939 = arith.index_cast %add3A_938 : i32 to index
      %get3A_940 = arith.constant 0 : index
      %get3A_941 = tpu.vector_load %arg10[%get3A_939, %get3A_940] {strides = array<i32>} : memref<512x64xf32, #tpu.memory_space<vmem>>, vector<16xf32>,
      %get3A_942 = arith.index_cast %add3A_938 : i32 to index
      %get3A_943 = arith.constant 0 : index
      %get3A_944 = tpu.vector_load %arg11[%get3A_942, %get3A_943] {strides = array<i32>} : memref<512x64xf32, #tpu.memory_space<vmem>>, vector<16xf32>,
      %mul3A_945 = arith.mulf %get3A_941, %get3A_944 : vector<16xf32>
      %get3A_946 = arith.index_cast %add3A_938 : i32 to index
      %get3A_947 = arith.constant 16 : index
      %get3A_948 = tpu.vector_load %arg10[%get3A_946, %get3A_947] {strides = array<i32>} : memref<512x64xf32, #tpu.memory_space<vmem>>, vector<16xf32>,
      %get3A_949 = arith.index_cast %add3A_938 : i32 to index
      %get3A_950 = arith.constant 16 : index
      %get3A_951 = tpu.vector_load %arg11[%get3A_949, %get3A_950] {strides = array<i32>} : memref<512x64xf32, #tpu.memory_space<vmem>>, vector<16xf32>,
      %mul3A_952 = arith.mulf %get3A_948, %get3A_951 : vector<16xf32>
      %add3A_953 = arith.addf %mul3A_945, %mul3A_952 : vector<16xf32>
      %get3A_954 = arith.index_cast %add3A_938 : i32 to index
      %get3A_955 = arith.constant 32 : index
      %get3A_956 = tpu.vector_load %arg10[%get3A_954, %get3A_955] {strides = array<i32>} : memref<512x64xf32, #tpu.memory_space<vmem>>, vector<16xf32>,
      %get3A_957 = arith.index_cast %add3A_938 : i32 to index
      %get3A_958 = arith.constant 32 : index
      %get3A_959 = tpu.vector_load %arg11[%get3A_957, %get3A_958] {strides = array<i32>} : memref<512x64xf32, #tpu.memory_space<vmem>>, vector<16xf32>,
      %mul3A_960 = arith.mulf %get3A_956, %get3A_959 : vector<16xf32>
      %add3A_961 = arith.addf %add3A_953, %mul3A_960 : vector<16xf32>
      %get3A_962 = arith.index_cast %add3A_938 : i32 to index
      %get3A_963 = arith.constant 48 : index
      %get3A_964 = tpu.vector_load %arg10[%get3A_962, %get3A_963] {strides = array<i32>} : memref<512x64xf32, #tpu.memory_space<vmem>>, vector<16xf32>,
      %get3A_965 = arith.index_cast %add3A_938 : i32 to index
      %get3A_966 = arith.constant 48 : index
      %get3A_967 = tpu.vector_load %arg11[%get3A_965, %get3A_966] {strides = array<i32>} : memref<512x64xf32, #tpu.memory_space<vmem>>, vector<16xf32>,
      %mul3A_968 = arith.mulf %get3A_964, %get3A_967 : vector<16xf32>
      %add3A_969 = arith.addf %add3A_961, %mul3A_968 : vector<16xf32>
      %swap3A_970 = arith.constant 208 : index
      %swap3A_971 = tpu.vector_load %arg15[%swap3A_970] {strides = array<i32>} : memref<256xf32, #tpu.memory_space<vmem>>, vector<16xf32>,
      tpu.vector_store %arg15[%swap3A_970], %add3A_969 {strides = array<i32>} : memref<256xf32, #tpu.memory_space<vmem>>, vector<16xf32>,
      %mul3A_972 = arith.constant 16 : i32
      %mul3A_973 = arith.muli %scan3A_453, %mul3A_972 : i32
      %add3A_974 = arith.constant 14 : i32
      %add3A_975 = arith.addi %mul3A_973, %add3A_974 : i32
      %get3A_976 = arith.index_cast %add3A_975 : i32 to index
      %get3A_977 = arith.constant 0 : index
      %get3A_978 = tpu.vector_load %arg10[%get3A_976, %get3A_977] {strides = array<i32>} : memref<512x64xf32, #tpu.memory_space<vmem>>, vector<16xf32>,
      %get3A_979 = arith.index_cast %add3A_975 : i32 to index
      %get3A_980 = arith.constant 0 : index
      %get3A_981 = tpu.vector_load %arg11[%get3A_979, %get3A_980] {strides = array<i32>} : memref<512x64xf32, #tpu.memory_space<vmem>>, vector<16xf32>,
      %mul3A_982 = arith.mulf %get3A_978, %get3A_981 : vector<16xf32>
      %get3A_983 = arith.index_cast %add3A_975 : i32 to index
      %get3A_984 = arith.constant 16 : index
      %get3A_985 = tpu.vector_load %arg10[%get3A_983, %get3A_984] {strides = array<i32>} : memref<512x64xf32, #tpu.memory_space<vmem>>, vector<16xf32>,
      %get3A_986 = arith.index_cast %add3A_975 : i32 to index
      %get3A_987 = arith.constant 16 : index
      %get3A_988 = tpu.vector_load %arg11[%get3A_986, %get3A_987] {strides = array<i32>} : memref<512x64xf32, #tpu.memory_space<vmem>>, vector<16xf32>,
      %mul3A_989 = arith.mulf %get3A_985, %get3A_988 : vector<16xf32>
      %add3A_990 = arith.addf %mul3A_982, %mul3A_989 : vector<16xf32>
      %get3A_991 = arith.index_cast %add3A_975 : i32 to index
      %get3A_992 = arith.constant 32 : index
      %get3A_993 = tpu.vector_load %arg10[%get3A_991, %get3A_992] {strides = array<i32>} : memref<512x64xf32, #tpu.memory_space<vmem>>, vector<16xf32>,
      %get3A_994 = arith.index_cast %add3A_975 : i32 to index
      %get3A_995 = arith.constant 32 : index
      %get3A_996 = tpu.vector_load %arg11[%get3A_994, %get3A_995] {strides = array<i32>} : memref<512x64xf32, #tpu.memory_space<vmem>>, vector<16xf32>,
      %mul3A_997 = arith.mulf %get3A_993, %get3A_996 : vector<16xf32>
      %add3A_998 = arith.addf %add3A_990, %mul3A_997 : vector<16xf32>
      %get3A_999 = arith.index_cast %add3A_975 : i32 to index
      %get3A_1000 = arith.constant 48 : index
      %get3A_1001 = tpu.vector_load %arg10[%get3A_999, %get3A_1000] {strides = array<i32>} : memref<512x64xf32, #tpu.memory_space<vmem>>, vector<16xf32>,
      %get3A_1002 = arith.index_cast %add3A_975 : i32 to index
      %get3A_1003 = arith.constant 48 : index
      %get3A_1004 = tpu.vector_load %arg11[%get3A_1002, %get3A_1003] {strides = array<i32>} : memref<512x64xf32, #tpu.memory_space<vmem>>, vector<16xf32>,
      %mul3A_1005 = arith.mulf %get3A_1001, %get3A_1004 : vector<16xf32>
      %add3A_1006 = arith.addf %add3A_998, %mul3A_1005 : vector<16xf32>
      %swap3A_1007 = arith.constant 224 : index
      %swap3A_1008 = tpu.vector_load %arg15[%swap3A_1007] {strides = array<i32>} : memref<256xf32, #tpu.memory_space<vmem>>, vector<16xf32>,
      tpu.vector_store %arg15[%swap3A_1007], %add3A_1006 {strides = array<i32>} : memref<256xf32, #tpu.memory_space<vmem>>, vector<16xf32>,
      %mul3A_1009 = arith.constant 16 : i32
      %mul3A_1010 = arith.muli %scan3A_453, %mul3A_1009 : i32
      %add3A_1011 = arith.constant 15 : i32
      %add3A_1012 = arith.addi %mul3A_1010, %add3A_1011 : i32
      %get3A_1013 = arith.index_cast %add3A_1012 : i32 to index
      %get3A_1014 = arith.constant 0 : index
      %get3A_1015 = tpu.vector_load %arg10[%get3A_1013, %get3A_1014] {strides = array<i32>} : memref<512x64xf32, #tpu.memory_space<vmem>>, vector<16xf32>,
      %get3A_1016 = arith.index_cast %add3A_1012 : i32 to index
      %get3A_1017 = arith.constant 0 : index
      %get3A_1018 = tpu.vector_load %arg11[%get3A_1016, %get3A_1017] {strides = array<i32>} : memref<512x64xf32, #tpu.memory_space<vmem>>, vector<16xf32>,
      %mul3A_1019 = arith.mulf %get3A_1015, %get3A_1018 : vector<16xf32>
      %get3A_1020 = arith.index_cast %add3A_1012 : i32 to index
      %get3A_1021 = arith.constant 16 : index
      %get3A_1022 = tpu.vector_load %arg10[%get3A_1020, %get3A_1021] {strides = array<i32>} : memref<512x64xf32, #tpu.memory_space<vmem>>, vector<16xf32>,
      %get3A_1023 = arith.index_cast %add3A_1012 : i32 to index
      %get3A_1024 = arith.constant 16 : index
      %get3A_1025 = tpu.vector_load %arg11[%get3A_1023, %get3A_1024] {strides = array<i32>} : memref<512x64xf32, #tpu.memory_space<vmem>>, vector<16xf32>,
      %mul3A_1026 = arith.mulf %get3A_1022, %get3A_1025 : vector<16xf32>
      %add3A_1027 = arith.addf %mul3A_1019, %mul3A_1026 : vector<16xf32>
      %get3A_1028 = arith.index_cast %add3A_1012 : i32 to index
      %get3A_1029 = arith.constant 32 : index
      %get3A_1030 = tpu.vector_load %arg10[%get3A_1028, %get3A_1029] {strides = array<i32>} : memref<512x64xf32, #tpu.memory_space<vmem>>, vector<16xf32>,
      %get3A_1031 = arith.index_cast %add3A_1012 : i32 to index
      %get3A_1032 = arith.constant 32 : index
      %get3A_1033 = tpu.vector_load %arg11[%get3A_1031, %get3A_1032] {strides = array<i32>} : memref<512x64xf32, #tpu.memory_space<vmem>>, vector<16xf32>,
      %mul3A_1034 = arith.mulf %get3A_1030, %get3A_1033 : vector<16xf32>
      %add3A_1035 = arith.addf %add3A_1027, %mul3A_1034 : vector<16xf32>
      %get3A_1036 = arith.index_cast %add3A_1012 : i32 to index
      %get3A_1037 = arith.constant 48 : index
      %get3A_1038 = tpu.vector_load %arg10[%get3A_1036, %get3A_1037] {strides = array<i32>} : memref<512x64xf32, #tpu.memory_space<vmem>>, vector<16xf32>,
      %get3A_1039 = arith.index_cast %add3A_1012 : i32 to index
      %get3A_1040 = arith.constant 48 : index
      %get3A_1041 = tpu.vector_load %arg11[%get3A_1039, %get3A_1040] {strides = array<i32>} : memref<512x64xf32, #tpu.memory_space<vmem>>, vector<16xf32>,
      %mul3A_1042 = arith.mulf %get3A_1038, %get3A_1041 : vector<16xf32>
      %add3A_1043 = arith.addf %add3A_1035, %mul3A_1042 : vector<16xf32>
      %swap3A_1044 = arith.constant 240 : index
      %swap3A_1045 = tpu.vector_load %arg15[%swap3A_1044] {strides = array<i32>} : memref<256xf32, #tpu.memory_space<vmem>>, vector<16xf32>,
      tpu.vector_store %arg15[%swap3A_1044], %add3A_1043 {strides = array<i32>} : memref<256xf32, #tpu.memory_space<vmem>>, vector<16xf32>,
      %mul3A_1046 = arith.constant 16 : i32
      %mul3A_1047 = arith.muli %scan3A_453, %mul3A_1046 : i32
      %get3A_1048 = arith.index_cast %mul3A_1047 : i32 to index
      %get3A_1049 = tpu.vector_load %arg12[%get3A_1048] {strides = array<i32>} : memref<512xf32, #tpu.memory_space<vmem>>, vector<16xf32>,
      %add3A_1050 = arith.addf %get3A_448, %get3A_1049 : vector<16xf32>
      %get3A_1051 = arith.index_cast %mul3A_1047 : i32 to index
      %get3A_1052 = tpu.vector_load %arg13[%get3A_1051] {strides = array<i32>} : memref<512xf32, #tpu.memory_space<vmem>>, vector<16xf32>,
      %add3A_1053 = arith.addf %add3A_1050, %get3A_1052 : vector<16xf32>
      %mul3A_1054 = arith.constant 16 : i32
      %mul3A_1055 = vector.broadcast %mul3A_1054 : i32 to vector<16xi32>
      %mul3A_1056 = arith.muli %iota3A, %mul3A_1055 : vector<16xi32>
      %add3A_1057 = arith.constant 0 : i32
      %add3A_1058 = vector.broadcast %add3A_1057 : i32 to vector<16xi32>
      %add3A_1059 = arith.addi %mul3A_1056, %add3A_1058 : vector<16xi32>
      %gather3A = tpu.vector_load_idx %arg15[%add3A_1059] : memref<256xf32, #tpu.memory_space<vmem>>[vector<16xi32>], vector<16xf32>,
      %add3A_1060 = arith.addf %add3A_1053, %gather3A : vector<16xf32>
      %add3A_1061 = arith.constant 1 : i32
      %add3A_1062 = vector.broadcast %add3A_1061 : i32 to vector<16xi32>
      %add3A_1063 = arith.addi %mul3A_1056, %add3A_1062 : vector<16xi32>
      %gather3A_1064 = tpu.vector_load_idx %arg15[%add3A_1063] : memref<256xf32, #tpu.memory_space<vmem>>[vector<16xi32>], vector<16xf32>,
      %add3A_1065 = arith.addf %add3A_1060, %gather3A_1064 : vector<16xf32>
      %add3A_1066 = arith.constant 2 : i32
      %add3A_1067 = vector.broadcast %add3A_1066 : i32 to vector<16xi32>
      %add3A_1068 = arith.addi %mul3A_1056, %add3A_1067 : vector<16xi32>
      %gather3A_1069 = tpu.vector_load_idx %arg15[%add3A_1068] : memref<256xf32, #tpu.memory_space<vmem>>[vector<16xi32>], vector<16xf32>,
      %add3A_1070 = arith.addf %add3A_1065, %gather3A_1069 : vector<16xf32>
      %add3A_1071 = arith.constant 3 : i32
      %add3A_1072 = vector.broadcast %add3A_1071 : i32 to vector<16xi32>
      %add3A_1073 = arith.addi %mul3A_1056, %add3A_1072 : vector<16xi32>
      %gather3A_1074 = tpu.vector_load_idx %arg15[%add3A_1073] : memref<256xf32, #tpu.memory_space<vmem>>[vector<16xi32>], vector<16xf32>,
      %add3A_1075 = arith.addf %add3A_1070, %gather3A_1074 : vector<16xf32>
      %add3A_1076 = arith.constant 4 : i32
      %add3A_1077 = vector.broadcast %add3A_1076 : i32 to vector<16xi32>
      %add3A_1078 = arith.addi %mul3A_1056, %add3A_1077 : vector<16xi32>
      %gather3A_1079 = tpu.vector_load_idx %arg15[%add3A_1078] : memref<256xf32, #tpu.memory_space<vmem>>[vector<16xi32>], vector<16xf32>,
      %add3A_1080 = arith.addf %add3A_1075, %gather3A_1079 : vector<16xf32>
      %add3A_1081 = arith.constant 5 : i32
      %add3A_1082 = vector.broadcast %add3A_1081 : i32 to vector<16xi32>
      %add3A_1083 = arith.addi %mul3A_1056, %add3A_1082 : vector<16xi32>
      %gather3A_1084 = tpu.vector_load_idx %arg15[%add3A_1083] : memref<256xf32, #tpu.memory_space<vmem>>[vector<16xi32>], vector<16xf32>,
      %add3A_1085 = arith.addf %add3A_1080, %gather3A_1084 : vector<16xf32>
      %add3A_1086 = arith.constant 6 : i32
      %add3A_1087 = vector.broadcast %add3A_1086 : i32 to vector<16xi32>
      %add3A_1088 = arith.addi %mul3A_1056, %add3A_1087 : vector<16xi32>
      %gather3A_1089 = tpu.vector_load_idx %arg15[%add3A_1088] : memref<256xf32, #tpu.memory_space<vmem>>[vector<16xi32>], vector<16xf32>,
      %add3A_1090 = arith.addf %add3A_1085, %gather3A_1089 : vector<16xf32>
      %add3A_1091 = arith.constant 7 : i32
      %add3A_1092 = vector.broadcast %add3A_1091 : i32 to vector<16xi32>
      %add3A_1093 = arith.addi %mul3A_1056, %add3A_1092 : vector<16xi32>
      %gather3A_1094 = tpu.vector_load_idx %arg15[%add3A_1093] : memref<256xf32, #tpu.memory_space<vmem>>[vector<16xi32>], vector<16xf32>,
      %add3A_1095 = arith.addf %add3A_1090, %gather3A_1094 : vector<16xf32>
      %add3A_1096 = arith.constant 8 : i32
      %add3A_1097 = vector.broadcast %add3A_1096 : i32 to vector<16xi32>
      %add3A_1098 = arith.addi %mul3A_1056, %add3A_1097 : vector<16xi32>
      %gather3A_1099 = tpu.vector_load_idx %arg15[%add3A_1098] : memref<256xf32, #tpu.memory_space<vmem>>[vector<16xi32>], vector<16xf32>,
      %add3A_1100 = arith.addf %add3A_1095, %gather3A_1099 : vector<16xf32>
      %add3A_1101 = arith.constant 9 : i32
      %add3A_1102 = vector.broadcast %add3A_1101 : i32 to vector<16xi32>
      %add3A_1103 = arith.addi %mul3A_1056, %add3A_1102 : vector<16xi32>
      %gather3A_1104 = tpu.vector_load_idx %arg15[%add3A_1103] : memref<256xf32, #tpu.memory_space<vmem>>[vector<16xi32>], vector<16xf32>,
      %add3A_1105 = arith.addf %add3A_1100, %gather3A_1104 : vector<16xf32>
      %add3A_1106 = arith.constant 10 : i32
      %add3A_1107 = vector.broadcast %add3A_1106 : i32 to vector<16xi32>
      %add3A_1108 = arith.addi %mul3A_1056, %add3A_1107 : vector<16xi32>
      %gather3A_1109 = tpu.vector_load_idx %arg15[%add3A_1108] : memref<256xf32, #tpu.memory_space<vmem>>[vector<16xi32>], vector<16xf32>,
      %add3A_1110 = arith.addf %add3A_1105, %gather3A_1109 : vector<16xf32>
      %add3A_1111 = arith.constant 11 : i32
      %add3A_1112 = vector.broadcast %add3A_1111 : i32 to vector<16xi32>
      %add3A_1113 = arith.addi %mul3A_1056, %add3A_1112 : vector<16xi32>
      %gather3A_1114 = tpu.vector_load_idx %arg15[%add3A_1113] : memref<256xf32, #tpu.memory_space<vmem>>[vector<16xi32>], vector<16xf32>,
      %add3A_1115 = arith.addf %add3A_1110, %gather3A_1114 : vector<16xf32>
      %add3A_1116 = arith.constant 12 : i32
      %add3A_1117 = vector.broadcast %add3A_1116 : i32 to vector<16xi32>
      %add3A_1118 = arith.addi %mul3A_1056, %add3A_1117 : vector<16xi32>
      %gather3A_1119 = tpu.vector_load_idx %arg15[%add3A_1118] : memref<256xf32, #tpu.memory_space<vmem>>[vector<16xi32>], vector<16xf32>,
      %add3A_1120 = arith.addf %add3A_1115, %gather3A_1119 : vector<16xf32>
      %add3A_1121 = arith.constant 13 : i32
      %add3A_1122 = vector.broadcast %add3A_1121 : i32 to vector<16xi32>
      %add3A_1123 = arith.addi %mul3A_1056, %add3A_1122 : vector<16xi32>
      %gather3A_1124 = tpu.vector_load_idx %arg15[%add3A_1123] : memref<256xf32, #tpu.memory_space<vmem>>[vector<16xi32>], vector<16xf32>,
      %add3A_1125 = arith.addf %add3A_1120, %gather3A_1124 : vector<16xf32>
      %add3A_1126 = arith.constant 14 : i32
      %add3A_1127 = vector.broadcast %add3A_1126 : i32 to vector<16xi32>
      %add3A_1128 = arith.addi %mul3A_1056, %add3A_1127 : vector<16xi32>
      %gather3A_1129 = tpu.vector_load_idx %arg15[%add3A_1128] : memref<256xf32, #tpu.memory_space<vmem>>[vector<16xi32>], vector<16xf32>,
      %add3A_1130 = arith.addf %add3A_1125, %gather3A_1129 : vector<16xf32>
      %add3A_1131 = arith.constant 15 : i32
      %add3A_1132 = vector.broadcast %add3A_1131 : i32 to vector<16xi32>
      %add3A_1133 = arith.addi %mul3A_1056, %add3A_1132 : vector<16xi32>
      %gather3A_1134 = tpu.vector_load_idx %arg15[%add3A_1133] : memref<256xf32, #tpu.memory_space<vmem>>[vector<16xi32>], vector<16xf32>,
      %add3A_1135 = arith.addf %add3A_1130, %gather3A_1134 : vector<16xf32>
      %swap3A_1136 = arith.index_cast %mul3A_1047 : i32 to index
      %swap3A_1137 = tpu.vector_load %arg16[%swap3A_1136] {strides = array<i32>} : memref<512xf32, #tpu.memory_space<vmem>>, vector<16xf32>,
      tpu.vector_store %arg16[%swap3A_1136], %add3A_1135 {strides = array<i32>} : memref<512xf32, #tpu.memory_space<vmem>>, vector<16xf32>,
    }
    %scan3A_452 = arith.constant 32 : i32
    "tpu.region"() ({
      %run_scoped3A = tpu.sem_alloc : memref<!tpu.dma_semaphore, #tpu.memory_space<semaphore_mem>>
      %dma_start3A_453 = tpu.memref_slice %arg7[%mul3A_2] : memref<16384xf32, #tpu.memory_space<hbm>> -> memref<512xf32, #tpu.memory_space<hbm>>
      %dma_start3A_454 = tpu.memref_slice %arg7[%mul3A_2] : memref<16384xf32, #tpu.memory_space<hbm>> -> memref<512xf32, #tpu.memory_space<hbm>>
      tpu.enqueue_dma source(%arg16 : memref<512xf32, #tpu.memory_space<vmem>>) target(%dma_start3A_454 : memref<512xf32, #tpu.memory_space<hbm>>) target_semaphore(%run_scoped3A : memref<!tpu.dma_semaphore, #tpu.memory_space<semaphore_mem>>)
      %dma_wait3A_455 = tpu.memref_slice %arg7[%mul3A_2] : memref<16384xf32, #tpu.memory_space<hbm>> -> memref<512xf32, #tpu.memory_space<hbm>>
      %dma_wait3A_456 = tpu.memref_slice %arg7[%mul3A_2] : memref<16384xf32, #tpu.memory_space<hbm>> -> memref<512xf32, #tpu.memory_space<hbm>>
      tpu.wait_dma2 semaphore(%run_scoped3A : memref<!tpu.dma_semaphore, #tpu.memory_space<semaphore_mem>>) src(%arg16 : memref<512xf32, #tpu.memory_space<vmem>>) dst(%dma_wait3A_456 : memref<512xf32, #tpu.memory_space<hbm>>)
      tpu.yield
    }) : () -> ()
    return
  }
}

</mosaic_0001>

<sc_bundles>
// kernel: kernel.3.cloned.1.call-start
scs
__scs_entry_jumppad:
0x0: {  	(pc) =	sbr.rel $0x88, $3  }
0x1: {  	(tag) =	ssettag $0x0;
	lr =	simm.s32 $0x1  }
0x2: {  	[smem:$0x3F9C] =	sst lr;
	_ =	strace $0xD0000000  }
0x3: {  	_ = 	snop  }
0x4: {  	_ = 	snop  }
0x5: {  	_ = 	snop  }
0x6: {  	_ = 	snop  }
0x7: {  	_ = 	snop  }
__scs_overlays_trampoline_lowered:
0x8: {  	[smem:$0x3FAB] =	sst s0  }
0x9: {  	[smem:$0x3FAC] =	sst s1  }
0xa: {  	[smem:$0x3FAD] =	sst s2  }
0xb: {  	[smem:$0x3FAE] =	sst s3  }
0xc: {  	[smem:$0x3FAF] =	sst s4  }
0xd: {  	[smem:$0x3FB0] =	sst s5  }
0xe: {  	[smem:$0x3FB1] =	sst s6  }
0xf: {  	[smem:$0x3FB2] =	sst s7  }
0x10: {  	[smem:$0x3FB3] =	sst s8  }
0x11: {  	[smem:$0x3FB4] =	sst s9;
	s0 =	simm.s32 @!p0 $0x0  }
0x12: {  	s1 =	sld [smem:$0x3F9A];
	s0 =	simm.s32 @p0 $0x1  }
0x13: {  	[smem:$0x3FB5] =	sst s0;
	s0 =	simm.s32 @!p1 $0x0  }
0x14: {  	s2 =	sld [smem:$0x3F99];
	s0 =	simm.s32 @p1 $0x1  }
0x15: {  	[smem:$0x3FB6] =	sst s0;
	s0 =	simm.s32 @!p2 $0x0  }
0x16: {  	s3 =	sld [smem:$0x3FDB];
	s0 =	simm.s32 @p2 $0x1  }
0x17: {  	s4 =	simm.s32 $0x1BF5;
	[smem:$0x3FB8] =	sst s0  }
0x18: {  	s0 =	sld [smem:$0x3F9B];
	_ =	swait.ge [sflag:s4], $0x0  }
0x19: {  	s7 =	sld [smem:$0x3F9C]  }
0x1a: {  	s8 =	sadd.s32 $0xFFFFE003, lr  }
0x1b: {  	s9 =	sadd.s32 $0xFFFFFEF7, lr;
	s5 =	simm.s32 $0xFFFFFFFF;
	p2 =	slt.u32 s8, $0xFFFFF086  }
0x1c: {  	p1 =	slt.u32 s9, $0xF7A;
	s5 =	simm.s32 @!p2 $0x0  }
0x1d: {  	s5 =	simm.s32 @p1 $0x1;
	p0 =	seq.s32 s7, s2  }
0x1e: {  	s7 =	smul.u32 @!p0 $0xF7A, s2;
	p2 =	seq.s32 @!p0 s5, $0x0  }
0x1f: {  	s9 =	smul.u32 $0xF7A, s1;
	s8 =	simm.s32 @!p0 $0x1BF5;
	p2 =	por !p2, p0  }
0x20: {  	[sflag:s8] =	ssyncset.s32 @!p0 $0xFFFFF086;
	s6 =	sadd.s32 @!p0 s3, s7;
	s7 =	simm.s32 @!p0 $0x108  }
0x21: {  	s3 =	sadd.s32 s3, s9;
	s6 =	sadd.s32 @!p0 $0x88, s6;
	s7 =	simm.s32 @p2 $0x1082  }
0x22: {  	[simem:s7], [sflag:s8] =	dma.local @!p0 [hbm:s6], $0xF7A  }
0x23: {  	s9 =	sor.u32 $0xD0000000, s2;
	s6 =	simm.s32 $0x108;
	_ =	swait.ge @!p0 [sflag:s8], $0x0  }
0x24: {  	s3 =	sadd.s32 $0x88, s3;
	s6 =	simm.s32 @!p1 $0x1082;
	[sflag:s4] =	ssyncset.s32 $0xFFFFF086  }
0x25: {  	[simem:s6], [sflag:s4] =	dma.local [hbm:s3], $0xF7A  }
0x26: {  	[smem:$0x3F9C] =	sst s1;
	(tag) =	ssettag s2;
	_ =	strace s9  }
0x27: {  	s1 =	sld [smem:$0x3FAC]  }
0x28: {  	s2 =	sld [smem:$0x3FAD]  }
0x29: {  	s4 =	sld [smem:$0x3FAF]  }
0x2a: {  	p0 =	seq.s32 s5, $0x0;
	s5 =	sld [smem:$0x3FB0]  }
0x2b: {  	s6 =	sld [smem:$0x3FB1]  }
0x2c: {  	s7 =	sld [smem:$0x3FB2]  }
0x2d: {  	s3 =	simm.s32 $0x108;
	s8 =	sld [smem:$0x3FB3]  }
0x2e: {  	s3 =	simm.s32 @!p0 $0x1082;
	s9 =	sld [smem:$0x3FB4]  }
0x2f: {  	lr =	sadd.s32 s0, s3;
	s0 =	sld [smem:$0x3FAB]  }
0x30: {  	s3 =	sld [smem:$0x3FAE]  }
0x31: {  	[smem:$0x3FB7] =	sst s10  }
0x32: {  	s10 =	sld [smem:$0x3FB5];
	_ =	sdelay $0x3  }
0x33: {  	p0 =	seq.s32 s10, $0x1;
	s10 =	sld [smem:$0x3FB7];
	_ =	sdelay $0x3  }
0x34: {  	[smem:$0x3FB7] =	sst s10  }
0x35: {  	s10 =	sld [smem:$0x3FB6];
	_ =	sdelay $0x3  }
0x36: {  	p1 =	seq.s32 s10, $0x1;
	s10 =	sld [smem:$0x3FB7];
	_ =	sdelay $0x3  }
0x37: {  	[smem:$0x3FB7] =	sst s10  }
0x38: {  	s10 =	sld [smem:$0x3FB8]  }
0x39: {  	_ = 	snop;
	(pc) =	sbr.ind lr, $3  }
0x3a: {  	_ = 	snop  }
0x3b: {  	_ = 	snop  }
0x3c: {  	p2 =	seq.s32 s10, $0x1;
	s10 =	sld [smem:$0x3FB7]  }
0x3d: {  	_ =	shalt  }
0x3e: {  	_ =	shalt  }
0x3f: {  	_ =	shalt  }
0x40: {  	_ =	shalt  }
0x41: {  	_ =	shalt  }
0x42: {  	_ =	shalt  }
0x43: {  	_ =	shalt  }
0x44: {  	_ =	shalt  }
0x45: {  	_ =	shalt  }
0x46: {  	_ =	shalt  }
0x47: {  	_ =	shalt  }
0x48: {  	_ =	shalt  }
0x49: {  	_ =	shalt  }
0x4a: {  	_ =	shalt  }
0x4b: {  	_ =	shalt  }
0x4c: {  	_ =	shalt  }
0x4d: {  	_ =	shalt  }
0x4e: {  	_ =	shalt  }
0x4f: {  	_ =	shalt  }
0x50: {  	_ =	shalt  }
0x51: {  	_ =	shalt  }
0x52: {  	_ =	shalt  }
0x53: {  	_ =	shalt  }
0x54: {  	_ =	shalt  }
0x55: {  	_ =	shalt  }
0x56: {  	_ =	shalt  }
0x57: {  	_ =	shalt  }
0x58: {  	_ =	shalt  }
0x59: {  	_ =	shalt  }
0x5a: {  	_ =	shalt  }
0x5b: {  	_ =	shalt  }
0x5c: {  	_ =	shalt  }
0x5d: {  	_ =	shalt  }
0x5e: {  	_ =	shalt  }
0x5f: {  	_ =	shalt  }
0x60: {  	_ =	shalt  }
0x61: {  	_ =	shalt  }
0x62: {  	_ =	shalt  }
0x63: {  	_ =	shalt  }
0x64: {  	_ =	shalt  }
0x65: {  	_ =	shalt  }
0x66: {  	_ =	shalt  }
0x67: {  	_ =	shalt  }
0x68: {  	_ =	shalt  }
0x69: {  	_ =	shalt  }
0x6a: {  	_ =	shalt  }
0x6b: {  	_ =	shalt  }
0x6c: {  	_ =	shalt  }
0x6d: {  	_ =	shalt  }
0x6e: {  	_ =	shalt  }
0x6f: {  	_ =	shalt  }
0x70: {  	_ =	shalt  }
0x71: {  	_ =	shalt  }
0x72: {  	_ =	shalt  }
0x73: {  	_ =	shalt  }
0x74: {  	_ =	shalt  }
0x75: {  	_ =	shalt  }
0x76: {  	_ =	shalt  }
0x77: {  	_ =	shalt  }
0x78: {  	_ =	shalt  }
0x79: {  	_ =	shalt  }
0x7a: {  	_ =	shalt  }
0x7b: {  	_ =	shalt  }
0x7c: {  	_ =	shalt  }
0x7d: {  	_ =	shalt  }
0x7e: {  	_ =	shalt  }
0x7f: {  	_ =	shalt  }
0x80: {  	_ =	shalt  }
0x81: {  	_ =	shalt  }
0x82: {  	_ =	shalt  }
0x83: {  	_ =	shalt  }
0x84: {  	_ =	shalt  }
0x85: {  	_ =	shalt  }
0x86: {  	_ =	shalt  }
0x87: {  	_ =	shalt  }
.Lfunc_end0:
.L_simem_size_0:
called_computation_lowered:
.L_overlay_start_0:
0x88: {  	s2 =	sld [smem:$0x3FD9]  }
0x89: {  	s3 =	sld [smem:$0x3FFE];
	_ =	sdelay $0x1  }
0x8a: {  	s1 =	srdreg.scid  }
0x8b: {  	s0 =	sand.u32 $0x1, s1  }
0x8c: {  	s17 =	sshll.u32 s0, $0xA;
	s2 =	sadd.s32 s3, s2  }
0x8d: {  	s2 =	sadd.s32 s2, s17  }
0x8e: {  	[smem:$0x3FC3] =	sst s2  }
0x8f: {  	_ = 	snop  }
0x90: {  	s2 =	sld [smem:$0x3FC9]  }
0x91: {  	s18 =	sld [smem:$0x3FC8]  }
0x92: {  	s4 =	sld [smem:$0x3FD0];
	(tm) =	ssettm $0x1  }
0x93: {  	s5 =	sld [smem:$0x3FFB];
	_ =	sdelay $0x3  }
0x94: {  	_ =	strace s5  }
0x95: {  	s5 =	sld [smem:$0x3FFC];
	_ =	sdelay $0x3  }
0x96: {  	_ =	strace s5  }
0x97: {  	s5 =	sld [smem:$0x3FFD];
	_ =	sdelay $0x3  }
0x98: {  	_ =	strace s5  }
0x99: {  	_ =	strace $0x8FFFFFFF  }
0x9a: {  	s19 =	sld [smem:$0x3FDB];
	_ =	sdelay $0x1  }
0x9b: {  	s6 =	simm.s32 $_scs_section_size  }
0x9c: {  	s7 =	simm.s32 $_size__tile_overlayer_lowered;
	s8 =	simm.s32 $_tile_overlayer_lowered  }
0x9d: {  	s22 =	simm.s32 $0x1BFF;
	s21 =	sshll.u32 s8, $0x1;
	s5 =	sadd.s32 s6, s19  }
0x9e: {  	s9 =	simm.s32 $0x0;
	s20 =	sshll.u32 s7, $0x1;
	s7 =	sadd.s32 s21, s5  }
0x9f: {  	[timem:s9], [sflag:s22] =	dma.local [hbm:s7], s20  }
0xa0: {  	_ =	swait.ge [sflag:s22], s20  }
0xa1: {  	s6 =	ssub.s32 $0x0, s20;
	[sflag:s22] =	ssyncset.done $0x0  }
0xa2: {  	[sflag:s22] =	ssyncadd.s32 s6;
	_ =	sdelay $0x1  }
0xa3: {  	s23 =	simm.s32 $0x1B8B  }
0xa4: {  	_ =	swait.ge [sflag:s23], $0x1  }
0xa5: {  	[sflag:s23] =	ssyncset.done $0x0  }
0xa6: {  	s25 =	simm.s32 $0x1B8E;
	s24 =	sld [smem:$0x3FFE];
	[sflag:s23] =	ssyncadd.s32 $0xFFFFFFFF  }
0xa7: {  	s26 =	simm.s32 $execute0_lowered;
	[smem:$0x3FD2] =	sst s25  }
0xa8: {  	s7 =	sshll.u32 s26, $0x1;
	_ =	strace $0x80000046;
	[dreg:$0x1] =	wrdreg $0xFFFFFFFF  }
0xa9: {  	s28 =	simm.s32 $_size_execute0_lowered;
	s5 =	sadd.s32 s5, s7;
	[dreg:$0x0] =	wrdreg $0x0  }
0xaa: {  	s7 =	sshll.u32 s28, $0x1;
	[dreg:$0x2] =	wrdreg s5  }
0xab: {  	[dreg:$0x3] =	wrdreg s7  }
0xac: {  	[dreg:$0x4] =	wrdreg $0xC0  }
0xad: {  	_ =	task [dreg:s9], $0x5FFFF  }
0xae: {  	[dreg:$0x1] =	wrdreg $0xFFFFFFFF  }
0xaf: {  	[dreg:$0x0] =	wrdreg $0x60  }
0xb0: {  	[dreg:$0x2] =	wrdreg s2  }
0xb1: {  	[dreg:$0x3] =	wrdreg s18  }
0xb2: {  	[dreg:$0x4] =	wrdreg s24  }
0xb3: {  	[dreg:$0x5] =	wrdreg s4  }
0xb4: {  	[dreg:$0x6] =	wrdreg $0x9  }
0xb5: {  	_ =	task.clear_ibuf [dreg:s9], $0x7FFFF;
	_ =	strace $0x90000046  }
0xb6: {  	s29 =	simm.s32 $0x9;
	_ =	strace $0x80000048  }
0xb7: {  	_ =	swait.ge [sflag:s29], $0x1  }
0xb8: {  	[sflag:s29] =	ssyncadd.s32 $0xFFFFFFFF  }
0xb9: {  	_ =	strace $0x90000048  }
0xba: {  	_ =	sfence  }
0xbb: {  	s30 =	sld [smem:$0x0];
	_ =	sdelay $0x2  }
0xbc: {  	s31 =	sshll.u32 s1, $0xD;
	s1 =	sshrl.u32 s1, $0x2  }
0xbd: {  	s3 =	sand.u32 $0x4000, s31;
	s1 =	sadd.s32 s1, s30  }
0xbe: {  	s0 =	sor.u32 s3, s0;
	s1 =	sshll.u32 s1, $0x11  }
0xbf: {  	s0 =	sor.u32 s1, s0  }
0xc0: {  	s0 =	sadd.s32 $0x8F2B, s0  }
0xc1: {  	[sflag:s0] =	ssyncadd.remote.s32 $0x1  }
0xc2: {  	_ =	sfence.sel $0xFFFF  }
0xc3: {  	[dreg:$0x0] =	wrdreg $0xFFFFFFFF;
	(pc) =	sbr.abs _section_cstart, $3  }
0xc4: {  	[dreg:$0x1] =	wrdreg $0xFFFFFFFF  }
0xc5: {  	_ =	task.clear_ibuf [dreg:s9], $0x2FFFF;
	_ =	strace $0x9FFFFFFF  }
0xc6: {  	(tm) =	ssettm $0x7FFFFFFF  }
0xc7: {  	_ =	shalt  }
tec
execute0_lowered:
.L_overlay_start_1:
0x0: {  	(tag) =	ssettag $0x1  }
0x1: {  	s0 =	rddreg [dreg:$0x0]  }
0x2: {  	s2 =	rddreg [dreg:$0x1]  }
0x3: {  	s5 =	rddreg [dreg:$0x2]  }
0x4: {  	s8 =	rddreg [dreg:$0x3]  }
0x5: {  	s1 =	simm.s32 $0x0;
	s4 =	srdreg.scid;
	s10 =	stileid.u32  }
0x6: {  	s11 =	simm.s32 $0x200;
	s13 =	simm.s32 $0x80;
	s19 =	simm.s32 $0x280  }
0x7: {  	s23 =	simm.s32 $0x100;
	s25 =	simm.s32 $0x300;
	s29 =	simm.s32 $0x10700  }
0x8: {  	s30 =	simm.s32 $0x180;
	s31 =	simm.s32 $0x6400;
	s12 =	simm.s32 $0x10580  }
0x9: {  	v0 =	vlaneseq.u32;
	s14 =	simm.s32 $0x10780;
	s15 =	simm.s32 $0x1;
	s16 =	simm.s32 $0x10810  }
0xa: {  	s17 =	simm.s32 $0x10910;
	s18 =	simm.s32 $0x0;
	[smem:$0x7FF] =	sst s1;
	v0 =	vmul.u32 $0x10, v0  }
0xb: {  	s3 =	sadd.s32 $0x6400, s5;
	s6 =	sand.u32 $0x1, s4;
	s4 =	sadd.s32 $0x200, s5  }
0xc: {  	s10 =	sshll.u32 s10, $0x7;
	s7 =	ssub.s32 $0x2, s6;
	s6 =	sshll.u32 s6, $0x6;
	v1 =	vor.u32 $0x1, v0;
	v2 =	vor.u32 $0x2, v0;
	v3 =	vor.u32 $0x3, v0  }
0xd: {  	s5 =	sadd.s32 $0x30D600, s5;
	s9 =	sshrl.u32 s7, $0x1;
	s10 =	sor.u32 s6, s10;
	v4 =	vor.u32 $0x4, v0;
	v5 =	vor.u32 $0x5, v0;
	v6 =	vor.u32 $0x6, v0  }
0xe: {  	_ =	strace $0x80000047;
	v7 =	vor.u32 $0x7, v0;
	v8 =	vor.u32 $0x8, v0;
	v9 =	vor.u32 $0x9, v0;
	s9 =	ssub.s32 s7, s9;
	s6 =	sadd.s32 s0, s10  }
0xf: {  	v10 =	vor.u32 $0xA, v0;
	v11 =	vor.u32 $0xB, v0;
	v12 =	vor.u32 $0xC, v0;
	s7 =	sadd.s32 s2, s10;
	s8 =	sadd.s32 s8, s10;
	s10 =	simm.s32 $0x2  }
0x10: {  	v13 =	vor.u32 $0xD, v0;
	v14 =	vor.u32 $0xE, v0;
	v15 =	vor.u32 $0xF, v0;
	s0 =	simm.s32 $0x380;
	s2 =	simm.s32 $0xE400;
	s9 =	smax.u32 s9, $0x1  }
.LBB2_1:
0x11: {  	[tilespmem:s1], [sflag:$0x2] =	stream.linear.gather [hbm4b:s6+s1], $0x200, $0x38;
	[tilespmem:$0x10B10] =	vst v63  }
0x12: {  	_ =	swait.ge [sflag:s10], $0x200  }
0x13: {  	[sflag:s10] =	ssyncset.done $0x0  }
0x14: {  	[sflag:s10] =	ssyncadd.s32 $0xFFFFFE00  }
0x15: {  	[tilespmem:s11], [sflag:$0x2] =	stream.linear.gather [hbm4b:s7+s1], $0x200, $0x38;
	[tilespmem:$0x10B10] =	vst v63  }
0x16: {  	_ =	swait.ge [sflag:s10], $0x200  }
0x17: {  	[sflag:s10] =	ssyncset.done $0x0  }
0x18: {  	s20 =	simm.s32 $0x10800;
	[sflag:s10] =	ssyncadd.s32 $0xFFFFFE00  }
0x19: {  	[tilespmem:s20], [sflag:$0x2] =	stream.linear.gather [hbm4b:s3+s1], $0x10, $0x38;
	[tilespmem:$0x10B10] =	vst v63  }
0x1a: {  	_ =	swait.ge [sflag:s10], $0x10  }
0x1b: {  	[sflag:s10] =	ssyncset.done $0x0  }
0x1c: {  	[sflag:s10] =	ssyncadd.s32 $0xFFFFFFF0  }
0x1d: {  	v16 =	vld [tilespmem:$0x200]  }
0x1e: {  	v17 =	vld [tilespmem:$0x210]  }
0x1f: {  	v18 =	vld [tilespmem:$0x220]  }
0x20: {  	v19 =	vld [tilespmem:$0x230]  }
0x21: {  	v20 =	vld [tilespmem:$0x240]  }
0x22: {  	v21 =	vld [tilespmem:$0x250];
	v16 =	vadd.s32 $0x186A0, v16  }
0x23: {  	[tilespmem:$0x200] =	vst v16;
	v16 =	vadd.s32 $0x186A0, v17;
	v17 =	vld [tilespmem:$0x260]  }
0x24: {  	[tilespmem:$0x210] =	vst v16;
	v16 =	vadd.s32 $0x186A0, v18;
	v18 =	vld [tilespmem:$0x270]  }
0x25: {  	[tilespmem:$0x220] =	vst v16;
	v16 =	vadd.s32 $0x186A0, v19;
	v19 =	vld [tilespmem:$0x280]  }
0x26: {  	[tilespmem:$0x230] =	vst v16;
	v16 =	vadd.s32 $0x186A0, v20;
	v20 =	vld [tilespmem:$0x290]  }
0x27: {  	v53 =	vld [tilespmem:$0x2A0];
	[tilespmem:$0x240] =	vst v16;
	v16 =	vadd.s32 $0x186A0, v21  }
0x28: {  	[tilespmem:$0x250] =	vst v16;
	v16 =	vadd.s32 $0x186A0, v17;
	v17 =	vld [tilespmem:$0x2B0]  }
0x29: {  	[tilespmem:$0x260] =	vst v16;
	v16 =	vadd.s32 $0x186A0, v18;
	v18 =	vld [tilespmem:$0x2C0]  }
0x2a: {  	[tilespmem:$0x270] =	vst v16;
	v16 =	vadd.s32 $0x186A0, v19;
	v19 =	vld [tilespmem:$0x2D0]  }
0x2b: {  	[tilespmem:$0x280] =	vst v16;
	v16 =	vadd.s32 $0x186A0, v20;
	v20 =	vld [tilespmem:$0x2E0]  }
0x2c: {  	v54 =	vld [tilespmem:$0x2F0];
	[tilespmem:$0x290] =	vst v16;
	v16 =	vadd.s32 $0x186A0, v53  }
0x2d: {  	[tilespmem:$0x2A0] =	vst v16;
	v16 =	vadd.s32 $0x186A0, v17;
	v17 =	vld [tilespmem:$0x300]  }
0x2e: {  	[tilespmem:$0x2B0] =	vst v16;
	v16 =	vadd.s32 $0x186A0, v18;
	v18 =	vld [tilespmem:$0x310]  }
0x2f: {  	[tilespmem:$0x2C0] =	vst v16;
	v16 =	vadd.s32 $0x186A0, v19;
	v19 =	vld [tilespmem:$0x320]  }
0x30: {  	[tilespmem:$0x2D0] =	vst v16;
	v16 =	vadd.s32 $0x186A0, v20;
	v20 =	vld [tilespmem:$0x330]  }
0x31: {  	v55 =	vld [tilespmem:$0x340];
	[tilespmem:$0x2E0] =	vst v16;
	v16 =	vadd.s32 $0x186A0, v54  }
0x32: {  	[tilespmem:$0x2F0] =	vst v16;
	v16 =	vadd.s32 $0x186A0, v17;
	v17 =	vld [tilespmem:$0x350]  }
0x33: {  	[tilespmem:$0x300] =	vst v16;
	v16 =	vadd.s32 $0x186A0, v18;
	v18 =	vld [tilespmem:$0x360]  }
0x34: {  	[tilespmem:$0x310] =	vst v16;
	v16 =	vadd.s32 $0x186A0, v19;
	v19 =	vld [tilespmem:$0x370]  }
0x35: {  	[tilespmem:$0x320] =	vst v16;
	v16 =	vadd.s32 $0x186A0, v20;
	v20 =	vld [tilespmem:$0x380]  }
0x36: {  	v56 =	vld [tilespmem:$0x390];
	[tilespmem:$0x330] =	vst v16;
	v16 =	vadd.s32 $0x186A0, v55  }
0x37: {  	[tilespmem:$0x340] =	vst v16;
	v16 =	vadd.s32 $0x186A0, v17;
	v17 =	vld [tilespmem:$0x3A0]  }
0x38: {  	[tilespmem:$0x350] =	vst v16;
	v16 =	vadd.s32 $0x186A0, v18;
	v18 =	vld [tilespmem:$0x3B0]  }
0x39: {  	[tilespmem:$0x360] =	vst v16;
	v16 =	vadd.s32 $0x186A0, v19;
	v19 =	vld [tilespmem:$0x3C0]  }
0x3a: {  	[tilespmem:$0x370] =	vst v16;
	v16 =	vadd.s32 $0x186A0, v20;
	v20 =	vld [tilespmem:$0x3D0]  }
0x3b: {  	v57 =	vld [tilespmem:$0x3E0];
	[tilespmem:$0x380] =	vst v16;
	v16 =	vadd.s32 $0x186A0, v56  }
0x3c: {  	[tilespmem:$0x390] =	vst v16;
	v16 =	vadd.s32 $0x186A0, v17;
	v17 =	vld [tilespmem:$0x3F0]  }
0x3d: {  	[tilespmem:$0x3A0] =	vst v16;
	v16 =	vadd.s32 $0x186A0, v18  }
0x3e: {  	[tilespmem:$0x3B0] =	vst v16;
	v16 =	vadd.s32 $0x186A0, v19  }
0x3f: {  	[tilespmem:$0x3C0] =	vst v16;
	v16 =	vadd.s32 $0x186A0, v20  }
0x40: {  	[tilespmem:$0x3D0] =	vst v16;
	v16 =	vadd.s32 $0x186A0, v57  }
0x41: {  	[tilespmem:$0x3E0] =	vst v16;
	v16 =	vadd.s32 $0x186A0, v17  }
0x42: {  	s28 =	simm.s32 $0x400;
	[tilespmem:$0x3F0] =	vst v16  }
0x43: {  	[tilespmem:s28], [sflag:$0x1] =	stream.indirect.gather [hbm4b:s5+s13], $0x40, s1, s13, $0xb8;
	[tilespmem:$0x10B10] =	vst v63  }
0x44: {  	s21 =	simm.s32 $0x8400  }
0x45: {  	[tilespmem:s21], [sflag:$0x1] =	stream.indirect.gather [hbm4b:s5+s13], $0x40, s11, s13, $0xb8;
	[tilespmem:$0x10B10] =	vst v63  }
0x46: {  	s22 =	simm.s32 $0x10400  }
0x47: {  	[tilespmem:s22], [sflag:$0x1] =	stream.indirect.gather [hbm4b:s4+s13], $0x1, s1, s13, $0xb8;
	[tilespmem:$0x10B10] =	vst v63  }
0x48: {  	s24 =	simm.s32 $0x10600  }
0x49: {  	[tilespmem:s24], [sflag:$0x1] =	stream.indirect.gather [hbm4b:s4+s13], $0x1, s11, s13, $0xb8;
	[tilespmem:$0x10B10] =	vst v63  }
0x4a: {  	s26 =	simm.s32 $0x2400  }
0x4b: {  	[tilespmem:s26], [sflag:$0x1] =	stream.indirect.gather [hbm4b:s5+s13], $0x40, s13, s13, $0xb8;
	[tilespmem:$0x10B10] =	vst v63  }
0x4c: {  	s28 =	simm.s32 $0xA400  }
0x4d: {  	[tilespmem:s28], [sflag:$0x1] =	stream.indirect.gather [hbm4b:s5+s13], $0x40, s19, s13, $0xb8;
	[tilespmem:$0x10B10] =	vst v63  }
0x4e: {  	s21 =	simm.s32 $0x10480  }
0x4f: {  	[tilespmem:s21], [sflag:$0x1] =	stream.indirect.gather [hbm4b:s4+s13], $0x1, s13, s13, $0xb8;
	[tilespmem:$0x10B10] =	vst v63  }
0x50: {  	s22 =	simm.s32 $0x10680  }
0x51: {  	[tilespmem:s22], [sflag:$0x1] =	stream.indirect.gather [hbm4b:s4+s13], $0x1, s19, s13, $0xb8;
	[tilespmem:$0x10B10] =	vst v63  }
0x52: {  	s24 =	simm.s32 $0x4400  }
0x53: {  	[tilespmem:s24], [sflag:$0x1] =	stream.indirect.gather [hbm4b:s5+s13], $0x40, s23, s13, $0xb8;
	[tilespmem:$0x10B10] =	vst v63  }
0x54: {  	s26 =	simm.s32 $0xC400  }
0x55: {  	[tilespmem:s26], [sflag:$0x1] =	stream.indirect.gather [hbm4b:s5+s13], $0x40, s25, s13, $0xb8;
	[tilespmem:$0x10B10] =	vst v63  }
0x56: {  	s28 =	simm.s32 $0x10500  }
0x57: {  	[tilespmem:s28], [sflag:$0x1] =	stream.indirect.gather [hbm4b:s4+s13], $0x1, s23, s13, $0xb8;
	[tilespmem:$0x10B10] =	vst v63  }
0x58: {  	_ = 	snop  }
0x59: {  	[tilespmem:s29], [sflag:$0x1] =	stream.indirect.gather [hbm4b:s4+s13], $0x1, s25, s13, $0xb8;
	[tilespmem:$0x10B10] =	vst v63  }
0x5a: {  	_ = 	snop  }
0x5b: {  	[tilespmem:s31], [sflag:$0x1] =	stream.indirect.gather [hbm4b:s5+s13], $0x40, s30, s13, $0xb8;
	[tilespmem:$0x10B10] =	vst v63  }
0x5c: {  	_ = 	snop  }
0x5d: {  	[tilespmem:s2], [sflag:$0x1] =	stream.indirect.gather [hbm4b:s5+s13], $0x40, s0, s13, $0xb8;
	[tilespmem:$0x10B10] =	vst v63  }
0x5e: {  	_ = 	snop  }
0x5f: {  	[tilespmem:s12], [sflag:$0x1] =	stream.indirect.gather [hbm4b:s4+s13], $0x1, s30, s13, $0xb8;
	[tilespmem:$0x10B10] =	vst v63  }
0x60: {  	_ = 	snop  }
0x61: {  	[tilespmem:s14], [sflag:$0x1] =	stream.indirect.gather [hbm4b:s4+s13], $0x1, s0, s13, $0xb8;
	[tilespmem:$0x10B10] =	vst v63  }
0x62: {  	_ =	swait.ge [sflag:s15], $0x2000  }
0x63: {  	[sflag:s15] =	ssyncset.done $0x0  }
0x64: {  	[sflag:s15] =	ssyncadd.s32 $0xFFFFE000  }
0x65: {  	_ =	swait.ge [sflag:s15], $0x2000  }
0x66: {  	[sflag:s15] =	ssyncset.done $0x0  }
0x67: {  	[sflag:s15] =	ssyncadd.s32 $0xFFFFE000  }
0x68: {  	_ =	swait.ge [sflag:s15], $0x80  }
0x69: {  	[sflag:s15] =	ssyncset.done $0x0  }
0x6a: {  	[sflag:s15] =	ssyncadd.s32 $0xFFFFFF80  }
0x6b: {  	_ =	swait.ge [sflag:s15], $0x80  }
0x6c: {  	[sflag:s15] =	ssyncset.done $0x0  }
0x6d: {  	[sflag:s15] =	ssyncadd.s32 $0xFFFFFF80  }
0x6e: {  	_ =	swait.ge [sflag:s15], $0x2000  }
0x6f: {  	[sflag:s15] =	ssyncset.done $0x0  }
0x70: {  	[sflag:s15] =	ssyncadd.s32 $0xFFFFE000  }
0x71: {  	_ =	swait.ge [sflag:s15], $0x2000  }
0x72: {  	[sflag:s15] =	ssyncset.done $0x0  }
0x73: {  	[sflag:s15] =	ssyncadd.s32 $0xFFFFE000  }
0x74: {  	_ =	swait.ge [sflag:s15], $0x80  }
0x75: {  	[sflag:s15] =	ssyncset.done $0x0  }
0x76: {  	[sflag:s15] =	ssyncadd.s32 $0xFFFFFF80  }
0x77: {  	_ =	swait.ge [sflag:s15], $0x80  }
0x78: {  	[sflag:s15] =	ssyncset.done $0x0  }
0x79: {  	[sflag:s15] =	ssyncadd.s32 $0xFFFFFF80  }
0x7a: {  	_ =	swait.ge [sflag:s15], $0x2000  }
0x7b: {  	[sflag:s15] =	ssyncset.done $0x0  }
0x7c: {  	[sflag:s15] =	ssyncadd.s32 $0xFFFFE000  }
0x7d: {  	_ =	swait.ge [sflag:s15], $0x2000  }
0x7e: {  	[sflag:s15] =	ssyncset.done $0x0  }
0x7f: {  	[sflag:s15] =	ssyncadd.s32 $0xFFFFE000  }
0x80: {  	_ =	swait.ge [sflag:s15], $0x80  }
0x81: {  	[sflag:s15] =	ssyncset.done $0x0  }
0x82: {  	[sflag:s15] =	ssyncadd.s32 $0xFFFFFF80  }
0x83: {  	_ =	swait.ge [sflag:s15], $0x80  }
0x84: {  	[sflag:s15] =	ssyncset.done $0x0  }
0x85: {  	[sflag:s15] =	ssyncadd.s32 $0xFFFFFF80  }
0x86: {  	_ =	swait.ge [sflag:s15], $0x2000  }
0x87: {  	[sflag:s15] =	ssyncset.done $0x0  }
0x88: {  	[sflag:s15] =	ssyncadd.s32 $0xFFFFE000  }
0x89: {  	_ =	swait.ge [sflag:s15], $0x2000  }
0x8a: {  	[sflag:s15] =	ssyncset.done $0x0  }
0x8b: {  	[sflag:s15] =	ssyncadd.s32 $0xFFFFE000  }
0x8c: {  	_ =	swait.ge [sflag:s15], $0x80  }
0x8d: {  	[sflag:s15] =	ssyncset.done $0x0  }
0x8e: {  	[sflag:s15] =	ssyncadd.s32 $0xFFFFFF80  }
0x8f: {  	_ =	swait.ge [sflag:s15], $0x80  }
0x90: {  	[sflag:s15] =	ssyncset.done $0x0  }
0x91: {  	s20 =	simm.s32 $0x600;
	[sflag:s15] =	ssyncadd.s32 $0xFFFFFF80  }
0x92: {  	s21 =	simm.s32 $0x8600;
	v16 =	vld [tilespmem:s20+$0xFFFFFE00]  }
0x93: {  	v17 =	vld [tilespmem:s21+$0xFFFFFE10]  }
0x94: {  	v18 =	vld [tilespmem:s20+$0xFFFFFE10]  }
0x95: {  	v19 =	vld [tilespmem:s21+$0xFFFFFE00]  }
0x96: {  	v20 =	vld [tilespmem:s21+$0xFFFFFE20]  }
0x97: {  	v58 =	vld [tilespmem:s20+$0xFFFFFE20]  }
0x98: {  	v22 =	vld [tilespmem:s21+$0xFFFFFE30]  }
0x99: {  	v23 =	vld [tilespmem:s20+$0xFFFFFE30]  }
0x9a: {  	v17 =	vmul.f32 v17, v18;
	v16 =	vmul.f32 v19, v16;
	_ =	sdelay $0x1  }
0x9b: {  	v16 =	vadd.f32 v17, v16;
	v17 =	vmul.f32 v20, v58;
	_ =	sdelay $0x1  }
0x9c: {  	v16 =	vadd.f32 v17, v16;
	v17 =	vmul.f32 v22, v23;
	_ =	sdelay $0x1  }
0x9d: {  	v16 =	vadd.f32 v17, v16;
	_ =	sdelay $0x1  }
0x9e: {  	[tilespmem:$0x10810] =	vst v16  }
0x9f: {  	v16 =	vld [tilespmem:s21+$0xFFFFFE50]  }
0xa0: {  	v17 =	vld [tilespmem:s20+$0xFFFFFE40]  }
0xa1: {  	v18 =	vld [tilespmem:s20+$0xFFFFFE50]  }
0xa2: {  	v19 =	vld [tilespmem:s21+$0xFFFFFE40]  }
0xa3: {  	v20 =	vld [tilespmem:s21+$0xFFFFFE60]  }
0xa4: {  	v59 =	vld [tilespmem:s20+$0xFFFFFE60]  }
0xa5: {  	v60 =	vld [tilespmem:s21+$0xFFFFFE70]  }
0xa6: {  	v61 =	vld [tilespmem:s20+$0xFFFFFE70]  }
0xa7: {  	v16 =	vmul.f32 v16, v18;
	v17 =	vmul.f32 v19, v17;
	_ =	sdelay $0x1  }
0xa8: {  	v16 =	vadd.f32 v16, v17;
	v17 =	vmul.f32 v20, v59;
	_ =	sdelay $0x1  }
0xa9: {  	v16 =	vadd.f32 v17, v16;
	v17 =	vmul.f32 v60, v61;
	_ =	sdelay $0x1  }
0xaa: {  	v16 =	vadd.f32 v17, v16;
	_ =	sdelay $0x1  }
0xab: {  	[tilespmem:$0x10820] =	vst v16  }
0xac: {  	v16 =	vld [tilespmem:s20+$0xFFFFFE80]  }
0xad: {  	v17 =	vld [tilespmem:s21+$0xFFFFFE80]  }
0xae: {  	v18 =	vld [tilespmem:s21+$0xFFFFFE90]  }
0xaf: {  	v19 =	vld [tilespmem:s20+$0xFFFFFE90]  }
0xb0: {  	v20 =	vld [tilespmem:s21+$0xFFFFFEA0]  }
0xb1: {  	v62 =	vld [tilespmem:s20+$0xFFFFFEA0]  }
0xb2: {  	v63 =	vld [tilespmem:s21+$0xFFFFFEB0]  }
0xb3: {  	v24 =	vld [tilespmem:s20+$0xFFFFFEB0]  }
0xb4: {  	v16 =	vmul.f32 v17, v16;
	v17 =	vmul.f32 v18, v19;
	_ =	sdelay $0x1  }
0xb5: {  	v16 =	vadd.f32 v17, v16;
	v17 =	vmul.f32 v20, v62;
	_ =	sdelay $0x1  }
0xb6: {  	v16 =	vadd.f32 v17, v16;
	v17 =	vmul.f32 v63, v24;
	_ =	sdelay $0x1  }
0xb7: {  	v16 =	vadd.f32 v17, v16;
	_ =	sdelay $0x1  }
0xb8: {  	[tilespmem:$0x10830] =	vst v16  }
0xb9: {  	v16 =	vld [tilespmem:s21+$0xFFFFFEC0]  }
0xba: {  	v17 =	vld [tilespmem:s20+$0xFFFFFEC0]  }
0xbb: {  	v18 =	vld [tilespmem:s20+$0xFFFFFED0]  }
0xbc: {  	v19 =	vld [tilespmem:s21+$0xFFFFFED0]  }
0xbd: {  	v20 =	vld [tilespmem:s21+$0xFFFFFEE0]  }
0xbe: {  	v25 =	vld [tilespmem:s20+$0xFFFFFEE0]  }
0xbf: {  	v26 =	vld [tilespmem:s21+$0xFFFFFEF0]  }
0xc0: {  	v27 =	vld [tilespmem:s20+$0xFFFFFEF0]  }
0xc1: {  	v16 =	vmul.f32 v16, v17;
	v17 =	vmul.f32 v19, v18;
	_ =	sdelay $0x1  }
0xc2: {  	v16 =	vadd.f32 v17, v16;
	v17 =	vmul.f32 v20, v25;
	_ =	sdelay $0x1  }
0xc3: {  	v16 =	vadd.f32 v17, v16;
	v17 =	vmul.f32 v26, v27;
	_ =	sdelay $0x1  }
0xc4: {  	v16 =	vadd.f32 v17, v16;
	_ =	sdelay $0x1  }
0xc5: {  	[tilespmem:$0x10840] =	vst v16  }
0xc6: {  	v16 =	vld [tilespmem:s21+$0xFFFFFF10]  }
0xc7: {  	v17 =	vld [tilespmem:s20+$0xFFFFFF00]  }
0xc8: {  	v18 =	vld [tilespmem:s21+$0xFFFFFF00]  }
0xc9: {  	v19 =	vld [tilespmem:s20+$0xFFFFFF10]  }
0xca: {  	v20 =	vld [tilespmem:s21+$0xFFFFFF20]  }
0xcb: {  	v28 =	vld [tilespmem:s20+$0xFFFFFF20]  }
0xcc: {  	v29 =	vld [tilespmem:s21+$0xFFFFFF30]  }
0xcd: {  	v30 =	vld [tilespmem:s20+$0xFFFFFF30]  }
0xce: {  	v17 =	vmul.f32 v18, v17;
	v16 =	vmul.f32 v16, v19;
	_ =	sdelay $0x1  }
0xcf: {  	v16 =	vadd.f32 v16, v17;
	v17 =	vmul.f32 v20, v28;
	_ =	sdelay $0x1  }
0xd0: {  	v16 =	vadd.f32 v17, v16;
	v17 =	vmul.f32 v29, v30;
	_ =	sdelay $0x1  }
0xd1: {  	v16 =	vadd.f32 v17, v16;
	_ =	sdelay $0x1  }
0xd2: {  	[tilespmem:$0x10850] =	vst v16  }
0xd3: {  	v16 =	vld [tilespmem:s21+$0xFFFFFF50]  }
0xd4: {  	v17 =	vld [tilespmem:s20+$0xFFFFFF40]  }
0xd5: {  	v18 =	vld [tilespmem:s21+$0xFFFFFF40]  }
0xd6: {  	v19 =	vld [tilespmem:s20+$0xFFFFFF50]  }
0xd7: {  	v20 =	vld [tilespmem:s21+$0xFFFFFF60]  }
0xd8: {  	v31 =	vld [tilespmem:s20+$0xFFFFFF60]  }
0xd9: {  	v32 =	vld [tilespmem:s21+$0xFFFFFF70]  }
0xda: {  	v33 =	vld [tilespmem:s20+$0xFFFFFF70]  }
0xdb: {  	v17 =	vmul.f32 v18, v17;
	v16 =	vmul.f32 v16, v19;
	_ =	sdelay $0x1  }
0xdc: {  	v16 =	vadd.f32 v16, v17;
	v17 =	vmul.f32 v20, v31;
	_ =	sdelay $0x1  }
0xdd: {  	v16 =	vadd.f32 v17, v16;
	v17 =	vmul.f32 v32, v33;
	_ =	sdelay $0x1  }
0xde: {  	v16 =	vadd.f32 v17, v16;
	_ =	sdelay $0x1  }
0xdf: {  	[tilespmem:$0x10860] =	vst v16  }
0xe0: {  	v16 =	vld [tilespmem:s21+$0xFFFFFF80]  }
0xe1: {  	v17 =	vld [tilespmem:s21+$0xFFFFFF90]  }
0xe2: {  	v18 =	vld [tilespmem:s20+$0xFFFFFF90]  }
0xe3: {  	v19 =	vld [tilespmem:s20+$0xFFFFFF80]  }
0xe4: {  	v20 =	vld [tilespmem:s21+$0xFFFFFFA0]  }
0xe5: {  	v34 =	vld [tilespmem:s20+$0xFFFFFFA0]  }
0xe6: {  	v35 =	vld [tilespmem:s21+$0xFFFFFFB0]  }
0xe7: {  	v36 =	vld [tilespmem:s20+$0xFFFFFFB0]  }
0xe8: {  	v17 =	vmul.f32 v17, v18;
	v16 =	vmul.f32 v16, v19;
	_ =	sdelay $0x1  }
0xe9: {  	v16 =	vadd.f32 v17, v16;
	v17 =	vmul.f32 v20, v34;
	_ =	sdelay $0x1  }
0xea: {  	v16 =	vadd.f32 v17, v16;
	v17 =	vmul.f32 v35, v36;
	_ =	sdelay $0x1  }
0xeb: {  	v16 =	vadd.f32 v17, v16;
	_ =	sdelay $0x1  }
0xec: {  	[tilespmem:$0x10870] =	vst v16  }
0xed: {  	v16 =	vld [tilespmem:s21+$0xFFFFFFD0]  }
0xee: {  	v17 =	vld [tilespmem:s21+$0xFFFFFFC0]  }
0xef: {  	v18 =	vld [tilespmem:s20+$0xFFFFFFC0]  }
0xf0: {  	v19 =	vld [tilespmem:s20+$0xFFFFFFD0]  }
0xf1: {  	v20 =	vld [tilespmem:s21+$0xFFFFFFE0]  }
0xf2: {  	v37 =	vld [tilespmem:s20+$0xFFFFFFE0]  }
0xf3: {  	v38 =	vld [tilespmem:s21+$0xFFFFFFF0]  }
0xf4: {  	v39 =	vld [tilespmem:s20+$0xFFFFFFF0]  }
0xf5: {  	v17 =	vmul.f32 v17, v18;
	v16 =	vmul.f32 v16, v19;
	_ =	sdelay $0x1  }
0xf6: {  	v16 =	vadd.f32 v16, v17;
	v17 =	vmul.f32 v20, v37;
	_ =	sdelay $0x1  }
0xf7: {  	v16 =	vadd.f32 v17, v16;
	v17 =	vmul.f32 v38, v39;
	_ =	sdelay $0x1  }
0xf8: {  	v16 =	vadd.f32 v17, v16;
	_ =	sdelay $0x1  }
0xf9: {  	[tilespmem:$0x10880] =	vst v16  }
0xfa: {  	v16 =	vld [tilespmem:s21+$0x0]  }
0xfb: {  	v17 =	vld [tilespmem:s21+$0x10]  }
0xfc: {  	v18 =	vld [tilespmem:s20+$0x0]  }
0xfd: {  	v19 =	vld [tilespmem:s20+$0x10]  }
0xfe: {  	v20 =	vld [tilespmem:s21+$0x20]  }
0xff: {  	v40 =	vld [tilespmem:s20+$0x20]  }
0x100: {  	v41 =	vld [tilespmem:s21+$0x30]  }
0x101: {  	v42 =	vld [tilespmem:s20+$0x30]  }
0x102: {  	v16 =	vmul.f32 v16, v18;
	v17 =	vmul.f32 v17, v19;
	_ =	sdelay $0x1  }
0x103: {  	v16 =	vadd.f32 v17, v16;
	v17 =	vmul.f32 v20, v40;
	_ =	sdelay $0x1  }
0x104: {  	v16 =	vadd.f32 v17, v16;
	v17 =	vmul.f32 v41, v42;
	_ =	sdelay $0x1  }
0x105: {  	v16 =	vadd.f32 v17, v16;
	_ =	sdelay $0x1  }
0x106: {  	[tilespmem:$0x10890] =	vst v16  }
0x107: {  	v16 =	vld [tilespmem:s21+$0x40]  }
0x108: {  	v17 =	vld [tilespmem:s21+$0x50]  }
0x109: {  	v18 =	vld [tilespmem:s20+$0x40]  }
0x10a: {  	v19 =	vld [tilespmem:s20+$0x50]  }
0x10b: {  	v20 =	vld [tilespmem:s20+$0x60]  }
0x10c: {  	v43 =	vld [tilespmem:s21+$0x60]  }
0x10d: {  	v44 =	vld [tilespmem:s20+$0x70]  }
0x10e: {  	v45 =	vld [tilespmem:s21+$0x70]  }
0x10f: {  	v16 =	vmul.f32 v16, v18;
	v17 =	vmul.f32 v17, v19;
	_ =	sdelay $0x1  }
0x110: {  	v16 =	vadd.f32 v17, v16;
	v17 =	vmul.f32 v43, v20;
	_ =	sdelay $0x1  }
0x111: {  	v16 =	vadd.f32 v17, v16;
	v17 =	vmul.f32 v45, v44;
	_ =	sdelay $0x1  }
0x112: {  	v16 =	vadd.f32 v17, v16;
	_ =	sdelay $0x1  }
0x113: {  	[tilespmem:$0x108A0] =	vst v16  }
0x114: {  	v16 =	vld [tilespmem:s21+$0x80]  }
0x115: {  	v17 =	vld [tilespmem:s21+$0x90]  }
0x116: {  	v18 =	vld [tilespmem:s20+$0x80]  }
0x117: {  	v19 =	vld [tilespmem:s20+$0x90]  }
0x118: {  	v20 =	vld [tilespmem:s20+$0xA0]  }
0x119: {  	v46 =	vld [tilespmem:s21+$0xA0]  }
0x11a: {  	v47 =	vld [tilespmem:s20+$0xB0]  }
0x11b: {  	v48 =	vld [tilespmem:s21+$0xB0]  }
0x11c: {  	v16 =	vmul.f32 v16, v18;
	v17 =	vmul.f32 v17, v19;
	_ =	sdelay $0x1  }
0x11d: {  	v16 =	vadd.f32 v17, v16;
	v17 =	vmul.f32 v46, v20;
	_ =	sdelay $0x1  }
0x11e: {  	v16 =	vadd.f32 v17, v16;
	v17 =	vmul.f32 v48, v47;
	_ =	sdelay $0x1  }
0x11f: {  	v16 =	vadd.f32 v17, v16;
	_ =	sdelay $0x1  }
0x120: {  	[tilespmem:$0x108B0] =	vst v16  }
0x121: {  	v16 =	vld [tilespmem:s21+$0xC0]  }
0x122: {  	v17 =	vld [tilespmem:s21+$0xD0]  }
0x123: {  	v18 =	vld [tilespmem:s20+$0xC0]  }
0x124: {  	v19 =	vld [tilespmem:s20+$0xD0]  }
0x125: {  	v20 =	vld [tilespmem:s20+$0xE0]  }
0x126: {  	v49 =	vld [tilespmem:s21+$0xE0]  }
0x127: {  	v50 =	vld [tilespmem:s20+$0xF0]  }
0x128: {  	v51 =	vld [tilespmem:s21+$0xF0]  }
0x129: {  	v16 =	vmul.f32 v16, v18;
	v17 =	vmul.f32 v17, v19;
	_ =	sdelay $0x1  }
0x12a: {  	v16 =	vadd.f32 v17, v16;
	v17 =	vmul.f32 v49, v20;
	_ =	sdelay $0x1  }
0x12b: {  	v16 =	vadd.f32 v17, v16;
	v17 =	vmul.f32 v51, v50;
	_ =	sdelay $0x1  }
0x12c: {  	v16 =	vadd.f32 v17, v16;
	_ =	sdelay $0x1  }
0x12d: {  	[tilespmem:$0x108C0] =	vst v16  }
0x12e: {  	v16 =	vld [tilespmem:s21+$0x100]  }
0x12f: {  	v17 =	vld [tilespmem:s21+$0x110]  }
0x130: {  	v18 =	vld [tilespmem:s20+$0x100]  }
0x131: {  	v19 =	vld [tilespmem:s20+$0x110]  }
0x132: {  	v20 =	vld [tilespmem:s20+$0x120]  }
0x133: {  	v52 =	vld [tilespmem:s21+$0x120]  }
0x134: {  	v53 =	vld [tilespmem:s20+$0x130]  }
0x135: {  	v54 =	vld [tilespmem:s21+$0x130]  }
0x136: {  	v16 =	vmul.f32 v16, v18;
	v17 =	vmul.f32 v17, v19;
	_ =	sdelay $0x1  }
0x137: {  	v16 =	vadd.f32 v17, v16;
	v17 =	vmul.f32 v52, v20;
	_ =	sdelay $0x1  }
0x138: {  	v16 =	vadd.f32 v17, v16;
	v17 =	vmul.f32 v54, v53;
	_ =	sdelay $0x1  }
0x139: {  	v16 =	vadd.f32 v17, v16;
	_ =	sdelay $0x1  }
0x13a: {  	[tilespmem:$0x108D0] =	vst v16  }
0x13b: {  	v16 =	vld [tilespmem:s21+$0x140]  }
0x13c: {  	v17 =	vld [tilespmem:s21+$0x150]  }
0x13d: {  	v18 =	vld [tilespmem:s20+$0x140]  }
0x13e: {  	v19 =	vld [tilespmem:s20+$0x150]  }
0x13f: {  	v20 =	vld [tilespmem:s20+$0x160]  }
0x140: {  	v55 =	vld [tilespmem:s21+$0x160]  }
0x141: {  	v56 =	vld [tilespmem:s20+$0x170]  }
0x142: {  	v57 =	vld [tilespmem:s21+$0x170]  }
0x143: {  	v16 =	vmul.f32 v16, v18;
	v17 =	vmul.f32 v17, v19;
	_ =	sdelay $0x1  }
0x144: {  	v16 =	vadd.f32 v17, v16;
	v17 =	vmul.f32 v55, v20;
	_ =	sdelay $0x1  }
0x145: {  	v16 =	vadd.f32 v17, v16;
	v17 =	vmul.f32 v57, v56;
	_ =	sdelay $0x1  }
0x146: {  	v16 =	vadd.f32 v17, v16;
	_ =	sdelay $0x1  }
0x147: {  	[tilespmem:$0x108E0] =	vst v16  }
0x148: {  	v16 =	vld [tilespmem:s21+$0x180]  }
0x149: {  	v17 =	vld [tilespmem:s21+$0x190]  }
0x14a: {  	v18 =	vld [tilespmem:s20+$0x190]  }
0x14b: {  	v19 =	vld [tilespmem:s20+$0x180]  }
0x14c: {  	v20 =	vld [tilespmem:s20+$0x1A0]  }
0x14d: {  	v58 =	vld [tilespmem:s21+$0x1A0]  }
0x14e: {  	v59 =	vld [tilespmem:s20+$0x1B0]  }
0x14f: {  	v60 =	vld [tilespmem:s21+$0x1B0]  }
0x150: {  	v17 =	vmul.f32 v17, v18;
	v16 =	vmul.f32 v16, v19;
	_ =	sdelay $0x1  }
0x151: {  	v16 =	vadd.f32 v17, v16;
	v17 =	vmul.f32 v58, v20;
	_ =	sdelay $0x1  }
0x152: {  	v16 =	vadd.f32 v17, v16;
	v17 =	vmul.f32 v60, v59;
	_ =	sdelay $0x1  }
0x153: {  	v16 =	vadd.f32 v17, v16;
	_ =	sdelay $0x1  }
0x154: {  	[tilespmem:$0x108F0] =	vst v16  }
0x155: {  	v17 =	vld [tilespmem:s20+$0x1E0]  }
0x156: {  	v16 =	vld [tilespmem:s20+$0x1C0]  }
0x157: {  	v18 =	vld [tilespmem:s21+$0x1E0]  }
0x158: {  	v19 =	vld [tilespmem:s21+$0x1D0]  }
0x159: {  	v20 =	vld [tilespmem:s20+$0x1D0]  }
0x15a: {  	v61 =	vld [tilespmem:s21+$0x1C0]  }
0x15b: {  	v62 =	vld [tilespmem:s20+$0x1F0]  }
0x15c: {  	v63 =	vld [tilespmem:s21+$0x1F0];
	_ =	sdelay $0x2  }
0x15d: {  	v19 =	vmul.f32 v19, v20;
	v20 =	vmul.f32 v61, v16;
	_ =	sdelay $0x1  }
0x15e: {  	s22 =	simm.s32 $0x40;
	s24 =	simm.s32 $0x0;
	v16 =	vld [tilespmem:$0x10800];
	v17 =	vmul.f32 v18, v17;
	v18 =	vmul.f32 v63, v62;
	v19 =	vadd.f32 v19, v20  }
.LBB2_2:
0x15f: {  	p0 =	sne.s32 s22, $0x7C0;
	s20 =	sadd.s32 $0x400, s20;
	s21 =	sadd.s32 $0x400, s21  }
0x160: {  	s28 =	smov.u32 s22;
	s22 =	sadd.s32 $0x40, s22;
	v17 =	vadd.f32 v17, v19;
	_ =	sdelay $0x1  }
0x161: {  	v17 =	vadd.f32 v18, v17  }
0x162: {  	s26 =	sshra.s32 s24, $0x2;
	s24 =	smov.u32 s28  }
0x163: {  	[tilespmem:$0x10900] =	vst v17  }
0x164: {  	v17 =	vld [tilespmem:s26+$0x10400]  }
0x165: {  	v18 =	vld [tilespmem:s26+$0x10600]  }
0x166: {  	v19 =	vld.idx.msk [tilespmem:v0+s16+$0x0], $0xffff  }
0x167: {  	v20 =	vld.idx.msk [tilespmem:v1+s16+$0x0], $0xffff  }
0x168: {  	v21 =	vld.idx.msk [tilespmem:v2+s16+$0x0], $0xffff  }
0x169: {  	v17 =	vadd.f32 v17, v16;
	v22 =	vld.idx.msk [tilespmem:v3+s16+$0x0], $0xffff  }
0x16a: {  	v23 =	vld.idx.msk [tilespmem:v4+s16+$0x0], $0xffff  }
0x16b: {  	v17 =	vadd.f32 v18, v17;
	v18 =	vld.idx.msk [tilespmem:v5+s16+$0x0], $0xffff  }
0x16c: {  	v24 =	vld.idx.msk [tilespmem:v6+s16+$0x0], $0xffff  }
0x16d: {  	v17 =	vadd.f32 v19, v17;
	v19 =	vld.idx.msk [tilespmem:v7+s16+$0x0], $0xffff  }
0x16e: {  	v25 =	vld.idx.msk [tilespmem:v8+s16+$0x0], $0xffff  }
0x16f: {  	v17 =	vadd.f32 v20, v17;
	v20 =	vld.idx.msk [tilespmem:v9+s16+$0x0], $0xffff  }
0x170: {  	v26 =	vld.idx.msk [tilespmem:v10+s16+$0x0], $0xffff  }
0x171: {  	v17 =	vadd.f32 v21, v17;
	v21 =	vld.idx.msk [tilespmem:v11+s16+$0x0], $0xffff  }
0x172: {  	v27 =	vld.idx.msk [tilespmem:v12+s16+$0x0], $0xffff  }
0x173: {  	v17 =	vadd.f32 v22, v17;
	v22 =	vld.idx.msk [tilespmem:v13+s16+$0x0], $0xffff  }
0x174: {  	v28 =	vld.idx.msk [tilespmem:v14+s16+$0x0], $0xffff  }
0x175: {  	v17 =	vadd.f32 v23, v17;
	v23 =	vld.idx.msk [tilespmem:v15+s16+$0x0], $0xffff;
	_ =	sdelay $0x1  }
0x176: {  	v17 =	vadd.f32 v18, v17;
	_ =	sdelay $0x1  }
0x177: {  	v17 =	vadd.f32 v24, v17;
	_ =	sdelay $0x1  }
0x178: {  	v17 =	vadd.f32 v19, v17;
	_ =	sdelay $0x1  }
0x179: {  	v17 =	vadd.f32 v25, v17;
	_ =	sdelay $0x1  }
0x17a: {  	v17 =	vadd.f32 v20, v17;
	_ =	sdelay $0x1  }
0x17b: {  	v17 =	vadd.f32 v26, v17;
	_ =	sdelay $0x1  }
0x17c: {  	v17 =	vadd.f32 v21, v17;
	_ =	sdelay $0x1  }
0x17d: {  	v17 =	vadd.f32 v27, v17;
	_ =	sdelay $0x1  }
0x17e: {  	v17 =	vadd.f32 v22, v17;
	_ =	sdelay $0x1  }
0x17f: {  	v17 =	vadd.f32 v28, v17;
	_ =	sdelay $0x1  }
0x180: {  	v17 =	vadd.f32 v23, v17;
	_ =	sdelay $0x1  }
0x181: {  	[tilespmem:s26+$0x10910] =	vst v17;
	_ =	sdelay $0x2  }
0x182: {  	v17 =	vld [tilespmem:s20+$0xFFFFFE00]  }
0x183: {  	v18 =	vld [tilespmem:s21+$0xFFFFFE10]  }
0x184: {  	v19 =	vld [tilespmem:s20+$0xFFFFFE10]  }
0x185: {  	v20 =	vld [tilespmem:s21+$0xFFFFFE00]  }
0x186: {  	v21 =	vld [tilespmem:s21+$0xFFFFFE20]  }
0x187: {  	v22 =	vld [tilespmem:s20+$0xFFFFFE20]  }
0x188: {  	v23 =	vld [tilespmem:s21+$0xFFFFFE30]  }
0x189: {  	v18 =	vmul.f32 v18, v19;
	v19 =	vld [tilespmem:s20+$0xFFFFFE30]  }
0x18a: {  	v17 =	vmul.f32 v20, v17;
	_ =	sdelay $0x1  }
0x18b: {  	v17 =	vadd.f32 v18, v17;
	v18 =	vmul.f32 v21, v22;
	_ =	sdelay $0x1  }
0x18c: {  	v17 =	vadd.f32 v18, v17;
	v18 =	vmul.f32 v23, v19;
	_ =	sdelay $0x1  }
0x18d: {  	v17 =	vadd.f32 v18, v17;
	_ =	sdelay $0x1  }
0x18e: {  	[tilespmem:$0x10810] =	vst v17  }
0x18f: {  	v17 =	vld [tilespmem:s21+$0xFFFFFE50]  }
0x190: {  	v18 =	vld [tilespmem:s20+$0xFFFFFE40]  }
0x191: {  	v19 =	vld [tilespmem:s20+$0xFFFFFE50]  }
0x192: {  	v20 =	vld [tilespmem:s21+$0xFFFFFE40]  }
0x193: {  	v21 =	vld [tilespmem:s21+$0xFFFFFE60]  }
0x194: {  	v22 =	vld [tilespmem:s20+$0xFFFFFE60]  }
0x195: {  	v23 =	vld [tilespmem:s21+$0xFFFFFE70]  }
0x196: {  	v17 =	vmul.f32 v17, v19;
	v19 =	vld [tilespmem:s20+$0xFFFFFE70]  }
0x197: {  	v18 =	vmul.f32 v20, v18;
	_ =	sdelay $0x1  }
0x198: {  	v17 =	vadd.f32 v17, v18;
	v18 =	vmul.f32 v21, v22;
	_ =	sdelay $0x1  }
0x199: {  	v17 =	vadd.f32 v18, v17;
	v18 =	vmul.f32 v23, v19;
	_ =	sdelay $0x1  }
0x19a: {  	v17 =	vadd.f32 v18, v17;
	_ =	sdelay $0x1  }
0x19b: {  	[tilespmem:$0x10820] =	vst v17  }
0x19c: {  	v17 =	vld [tilespmem:s20+$0xFFFFFE80]  }
0x19d: {  	v18 =	vld [tilespmem:s21+$0xFFFFFE80]  }
0x19e: {  	v19 =	vld [tilespmem:s21+$0xFFFFFE90]  }
0x19f: {  	v20 =	vld [tilespmem:s20+$0xFFFFFE90]  }
0x1a0: {  	v21 =	vld [tilespmem:s21+$0xFFFFFEA0]  }
0x1a1: {  	v22 =	vld [tilespmem:s20+$0xFFFFFEA0]  }
0x1a2: {  	v17 =	vmul.f32 v18, v17;
	v18 =	vld [tilespmem:s21+$0xFFFFFEB0]  }
0x1a3: {  	v23 =	vld [tilespmem:s20+$0xFFFFFEB0]  }
0x1a4: {  	v19 =	vmul.f32 v19, v20;
	_ =	sdelay $0x1  }
0x1a5: {  	v17 =	vadd.f32 v19, v17;
	v19 =	vmul.f32 v21, v22;
	_ =	sdelay $0x1  }
0x1a6: {  	v17 =	vadd.f32 v19, v17;
	v18 =	vmul.f32 v18, v23;
	_ =	sdelay $0x1  }
0x1a7: {  	v17 =	vadd.f32 v18, v17;
	_ =	sdelay $0x1  }
0x1a8: {  	[tilespmem:$0x10830] =	vst v17  }
0x1a9: {  	v17 =	vld [tilespmem:s21+$0xFFFFFEC0]  }
0x1aa: {  	v18 =	vld [tilespmem:s20+$0xFFFFFEC0]  }
0x1ab: {  	v19 =	vld [tilespmem:s20+$0xFFFFFED0]  }
0x1ac: {  	v20 =	vld [tilespmem:s21+$0xFFFFFED0]  }
0x1ad: {  	v21 =	vld [tilespmem:s21+$0xFFFFFEE0]  }
0x1ae: {  	v22 =	vld [tilespmem:s20+$0xFFFFFEE0]  }
0x1af: {  	v17 =	vmul.f32 v17, v18;
	v18 =	vld [tilespmem:s21+$0xFFFFFEF0]  }
0x1b0: {  	v23 =	vld [tilespmem:s20+$0xFFFFFEF0]  }
0x1b1: {  	v19 =	vmul.f32 v20, v19;
	_ =	sdelay $0x1  }
0x1b2: {  	v17 =	vadd.f32 v19, v17;
	v19 =	vmul.f32 v21, v22;
	_ =	sdelay $0x1  }
0x1b3: {  	v17 =	vadd.f32 v19, v17;
	v18 =	vmul.f32 v18, v23;
	_ =	sdelay $0x1  }
0x1b4: {  	v17 =	vadd.f32 v18, v17;
	_ =	sdelay $0x1  }
0x1b5: {  	[tilespmem:$0x10840] =	vst v17  }
0x1b6: {  	v17 =	vld [tilespmem:s21+$0xFFFFFF10]  }
0x1b7: {  	v18 =	vld [tilespmem:s20+$0xFFFFFF00]  }
0x1b8: {  	v19 =	vld [tilespmem:s21+$0xFFFFFF00]  }
0x1b9: {  	v20 =	vld [tilespmem:s20+$0xFFFFFF10]  }
0x1ba: {  	v21 =	vld [tilespmem:s21+$0xFFFFFF20]  }
0x1bb: {  	v22 =	vld [tilespmem:s20+$0xFFFFFF20]  }
0x1bc: {  	v23 =	vld [tilespmem:s21+$0xFFFFFF30]  }
0x1bd: {  	v18 =	vmul.f32 v19, v18;
	v19 =	vld [tilespmem:s20+$0xFFFFFF30]  }
0x1be: {  	v17 =	vmul.f32 v17, v20;
	_ =	sdelay $0x1  }
0x1bf: {  	v17 =	vadd.f32 v17, v18;
	v18 =	vmul.f32 v21, v22;
	_ =	sdelay $0x1  }
0x1c0: {  	v17 =	vadd.f32 v18, v17;
	v18 =	vmul.f32 v23, v19;
	_ =	sdelay $0x1  }
0x1c1: {  	v17 =	vadd.f32 v18, v17;
	_ =	sdelay $0x1  }
0x1c2: {  	[tilespmem:$0x10850] =	vst v17  }
0x1c3: {  	v17 =	vld [tilespmem:s21+$0xFFFFFF50]  }
0x1c4: {  	v18 =	vld [tilespmem:s20+$0xFFFFFF40]  }
0x1c5: {  	v19 =	vld [tilespmem:s21+$0xFFFFFF40]  }
0x1c6: {  	v20 =	vld [tilespmem:s20+$0xFFFFFF50]  }
0x1c7: {  	v21 =	vld [tilespmem:s21+$0xFFFFFF60]  }
0x1c8: {  	v22 =	vld [tilespmem:s20+$0xFFFFFF60]  }
0x1c9: {  	v23 =	vld [tilespmem:s21+$0xFFFFFF70]  }
0x1ca: {  	v18 =	vmul.f32 v19, v18;
	v19 =	vld [tilespmem:s20+$0xFFFFFF70]  }
0x1cb: {  	v17 =	vmul.f32 v17, v20;
	_ =	sdelay $0x1  }
0x1cc: {  	v17 =	vadd.f32 v17, v18;
	v18 =	vmul.f32 v21, v22;
	_ =	sdelay $0x1  }
0x1cd: {  	v17 =	vadd.f32 v18, v17;
	v18 =	vmul.f32 v23, v19;
	_ =	sdelay $0x1  }
0x1ce: {  	v17 =	vadd.f32 v18, v17;
	_ =	sdelay $0x1  }
0x1cf: {  	[tilespmem:$0x10860] =	vst v17  }
0x1d0: {  	v17 =	vld [tilespmem:s21+$0xFFFFFF80]  }
0x1d1: {  	v18 =	vld [tilespmem:s21+$0xFFFFFF90]  }
0x1d2: {  	v19 =	vld [tilespmem:s20+$0xFFFFFF90]  }
0x1d3: {  	v20 =	vld [tilespmem:s20+$0xFFFFFF80]  }
0x1d4: {  	v21 =	vld [tilespmem:s21+$0xFFFFFFA0]  }
0x1d5: {  	v22 =	vld [tilespmem:s20+$0xFFFFFFA0]  }
0x1d6: {  	v23 =	vld [tilespmem:s21+$0xFFFFFFB0]  }
0x1d7: {  	v18 =	vmul.f32 v18, v19;
	v19 =	vld [tilespmem:s20+$0xFFFFFFB0]  }
0x1d8: {  	v17 =	vmul.f32 v17, v20;
	_ =	sdelay $0x1  }
0x1d9: {  	v17 =	vadd.f32 v18, v17;
	v18 =	vmul.f32 v21, v22;
	_ =	sdelay $0x1  }
0x1da: {  	v17 =	vadd.f32 v18, v17;
	v18 =	vmul.f32 v23, v19;
	_ =	sdelay $0x1  }
0x1db: {  	v17 =	vadd.f32 v18, v17;
	_ =	sdelay $0x1  }
0x1dc: {  	[tilespmem:$0x10870] =	vst v17  }
0x1dd: {  	v17 =	vld [tilespmem:s21+$0xFFFFFFD0]  }
0x1de: {  	v18 =	vld [tilespmem:s21+$0xFFFFFFC0]  }
0x1df: {  	v19 =	vld [tilespmem:s20+$0xFFFFFFC0]  }
0x1e0: {  	v20 =	vld [tilespmem:s20+$0xFFFFFFD0]  }
0x1e1: {  	v21 =	vld [tilespmem:s21+$0xFFFFFFE0]  }
0x1e2: {  	v22 =	vld [tilespmem:s20+$0xFFFFFFE0]  }
0x1e3: {  	v23 =	vld [tilespmem:s21+$0xFFFFFFF0]  }
0x1e4: {  	v18 =	vmul.f32 v18, v19;
	v19 =	vld [tilespmem:s20+$0xFFFFFFF0]  }
0x1e5: {  	v17 =	vmul.f32 v17, v20;
	_ =	sdelay $0x1  }
0x1e6: {  	v17 =	vadd.f32 v17, v18;
	v18 =	vmul.f32 v21, v22;
	_ =	sdelay $0x1  }
0x1e7: {  	v17 =	vadd.f32 v18, v17;
	v18 =	vmul.f32 v23, v19;
	_ =	sdelay $0x1  }
0x1e8: {  	v17 =	vadd.f32 v18, v17;
	_ =	sdelay $0x1  }
0x1e9: {  	[tilespmem:$0x10880] =	vst v17  }
0x1ea: {  	v17 =	vld [tilespmem:s21+$0x0]  }
0x1eb: {  	v18 =	vld [tilespmem:s21+$0x10]  }
0x1ec: {  	v19 =	vld [tilespmem:s20+$0x0]  }
0x1ed: {  	v20 =	vld [tilespmem:s20+$0x10]  }
0x1ee: {  	v21 =	vld [tilespmem:s21+$0x20]  }
0x1ef: {  	v22 =	vld [tilespmem:s20+$0x20]  }
0x1f0: {  	v23 =	vld [tilespmem:s21+$0x30]  }
0x1f1: {  	v17 =	vmul.f32 v17, v19;
	v19 =	vld [tilespmem:s20+$0x30]  }
0x1f2: {  	v18 =	vmul.f32 v18, v20;
	_ =	sdelay $0x1  }
0x1f3: {  	v17 =	vadd.f32 v18, v17;
	v18 =	vmul.f32 v21, v22;
	_ =	sdelay $0x1  }
0x1f4: {  	v17 =	vadd.f32 v18, v17;
	v18 =	vmul.f32 v23, v19;
	_ =	sdelay $0x1  }
0x1f5: {  	v17 =	vadd.f32 v18, v17;
	_ =	sdelay $0x1  }
0x1f6: {  	[tilespmem:$0x10890] =	vst v17  }
0x1f7: {  	v17 =	vld [tilespmem:s21+$0x40]  }
0x1f8: {  	v18 =	vld [tilespmem:s21+$0x50]  }
0x1f9: {  	v19 =	vld [tilespmem:s20+$0x40]  }
0x1fa: {  	v20 =	vld [tilespmem:s20+$0x50]  }
0x1fb: {  	v21 =	vld [tilespmem:s20+$0x60]  }
0x1fc: {  	v22 =	vld [tilespmem:s21+$0x60]  }
0x1fd: {  	v23 =	vld [tilespmem:s20+$0x70]  }
0x1fe: {  	v17 =	vmul.f32 v17, v19;
	v19 =	vld [tilespmem:s21+$0x70]  }
0x1ff: {  	v18 =	vmul.f32 v18, v20;
	_ =	sdelay $0x1  }
0x200: {  	v17 =	vadd.f32 v18, v17;
	v18 =	vmul.f32 v22, v21;
	_ =	sdelay $0x1  }
0x201: {  	v17 =	vadd.f32 v18, v17;
	v18 =	vmul.f32 v19, v23;
	_ =	sdelay $0x1  }
0x202: {  	v17 =	vadd.f32 v18, v17;
	_ =	sdelay $0x1  }
0x203: {  	[tilespmem:$0x108A0] =	vst v17  }
0x204: {  	v17 =	vld [tilespmem:s21+$0x80]  }
0x205: {  	v18 =	vld [tilespmem:s21+$0x90]  }
0x206: {  	v19 =	vld [tilespmem:s20+$0x80]  }
0x207: {  	v20 =	vld [tilespmem:s20+$0x90]  }
0x208: {  	v21 =	vld [tilespmem:s20+$0xA0]  }
0x209: {  	v22 =	vld [tilespmem:s21+$0xA0]  }
0x20a: {  	v23 =	vld [tilespmem:s20+$0xB0]  }
0x20b: {  	v17 =	vmul.f32 v17, v19;
	v19 =	vld [tilespmem:s21+$0xB0]  }
0x20c: {  	v18 =	vmul.f32 v18, v20;
	_ =	sdelay $0x1  }
0x20d: {  	v17 =	vadd.f32 v18, v17;
	v18 =	vmul.f32 v22, v21;
	_ =	sdelay $0x1  }
0x20e: {  	v17 =	vadd.f32 v18, v17;
	v18 =	vmul.f32 v19, v23;
	_ =	sdelay $0x1  }
0x20f: {  	v17 =	vadd.f32 v18, v17;
	_ =	sdelay $0x1  }
0x210: {  	[tilespmem:$0x108B0] =	vst v17  }
0x211: {  	v17 =	vld [tilespmem:s21+$0xC0]  }
0x212: {  	v18 =	vld [tilespmem:s21+$0xD0]  }
0x213: {  	v19 =	vld [tilespmem:s20+$0xC0]  }
0x214: {  	v20 =	vld [tilespmem:s20+$0xD0]  }
0x215: {  	v21 =	vld [tilespmem:s20+$0xE0]  }
0x216: {  	v22 =	vld [tilespmem:s21+$0xE0]  }
0x217: {  	v23 =	vld [tilespmem:s20+$0xF0]  }
0x218: {  	v17 =	vmul.f32 v17, v19;
	v19 =	vld [tilespmem:s21+$0xF0]  }
0x219: {  	v18 =	vmul.f32 v18, v20;
	_ =	sdelay $0x1  }
0x21a: {  	v17 =	vadd.f32 v18, v17;
	v18 =	vmul.f32 v22, v21;
	_ =	sdelay $0x1  }
0x21b: {  	v17 =	vadd.f32 v18, v17;
	v18 =	vmul.f32 v19, v23;
	_ =	sdelay $0x1  }
0x21c: {  	v17 =	vadd.f32 v18, v17;
	_ =	sdelay $0x1  }
0x21d: {  	[tilespmem:$0x108C0] =	vst v17  }
0x21e: {  	v17 =	vld [tilespmem:s21+$0x100]  }
0x21f: {  	v18 =	vld [tilespmem:s21+$0x110]  }
0x220: {  	v19 =	vld [tilespmem:s20+$0x100]  }
0x221: {  	v20 =	vld [tilespmem:s20+$0x110]  }
0x222: {  	v21 =	vld [tilespmem:s20+$0x120]  }
0x223: {  	v22 =	vld [tilespmem:s21+$0x120]  }
0x224: {  	v23 =	vld [tilespmem:s20+$0x130]  }
0x225: {  	v17 =	vmul.f32 v17, v19;
	v19 =	vld [tilespmem:s21+$0x130]  }
0x226: {  	v18 =	vmul.f32 v18, v20;
	_ =	sdelay $0x1  }
0x227: {  	v17 =	vadd.f32 v18, v17;
	v18 =	vmul.f32 v22, v21;
	_ =	sdelay $0x1  }
0x228: {  	v17 =	vadd.f32 v18, v17;
	v18 =	vmul.f32 v19, v23;
	_ =	sdelay $0x1  }
0x229: {  	v17 =	vadd.f32 v18, v17;
	_ =	sdelay $0x1  }
0x22a: {  	[tilespmem:$0x108D0] =	vst v17  }
0x22b: {  	v17 =	vld [tilespmem:s21+$0x140]  }
0x22c: {  	v18 =	vld [tilespmem:s21+$0x150]  }
0x22d: {  	v19 =	vld [tilespmem:s20+$0x140]  }
0x22e: {  	v20 =	vld [tilespmem:s20+$0x150]  }
0x22f: {  	v21 =	vld [tilespmem:s20+$0x160]  }
0x230: {  	v22 =	vld [tilespmem:s21+$0x160]  }
0x231: {  	v23 =	vld [tilespmem:s20+$0x170]  }
0x232: {  	v17 =	vmul.f32 v17, v19;
	v19 =	vld [tilespmem:s21+$0x170]  }
0x233: {  	v18 =	vmul.f32 v18, v20;
	_ =	sdelay $0x1  }
0x234: {  	v17 =	vadd.f32 v18, v17;
	v18 =	vmul.f32 v22, v21;
	_ =	sdelay $0x1  }
0x235: {  	v17 =	vadd.f32 v18, v17;
	v18 =	vmul.f32 v19, v23;
	_ =	sdelay $0x1  }
0x236: {  	v17 =	vadd.f32 v18, v17;
	_ =	sdelay $0x1  }
0x237: {  	[tilespmem:$0x108E0] =	vst v17  }
0x238: {  	v17 =	vld [tilespmem:s21+$0x180]  }
0x239: {  	v18 =	vld [tilespmem:s21+$0x190]  }
0x23a: {  	v19 =	vld [tilespmem:s20+$0x190]  }
0x23b: {  	v20 =	vld [tilespmem:s20+$0x180]  }
0x23c: {  	v21 =	vld [tilespmem:s20+$0x1A0]  }
0x23d: {  	v22 =	vld [tilespmem:s21+$0x1A0]  }
0x23e: {  	v23 =	vld [tilespmem:s20+$0x1B0]  }
0x23f: {  	v18 =	vmul.f32 v18, v19;
	v19 =	vld [tilespmem:s21+$0x1B0]  }
0x240: {  	v17 =	vmul.f32 v17, v20;
	_ =	sdelay $0x1  }
0x241: {  	v17 =	vadd.f32 v18, v17;
	v18 =	vmul.f32 v22, v21;
	_ =	sdelay $0x1  }
0x242: {  	v17 =	vadd.f32 v18, v17;
	v18 =	vmul.f32 v19, v23;
	_ =	sdelay $0x1  }
0x243: {  	v17 =	vadd.f32 v18, v17;
	_ =	sdelay $0x1  }
0x244: {  	[tilespmem:$0x108F0] =	vst v17  }
0x245: {  	v17 =	vld [tilespmem:s20+$0x1E0]  }
0x246: {  	v18 =	vld [tilespmem:s20+$0x1C0]  }
0x247: {  	v19 =	vld [tilespmem:s21+$0x1E0]  }
0x248: {  	v20 =	vld [tilespmem:s21+$0x1D0]  }
0x249: {  	v21 =	vld [tilespmem:s20+$0x1D0]  }
0x24a: {  	v22 =	vld [tilespmem:s21+$0x1C0]  }
0x24b: {  	v23 =	vld [tilespmem:s20+$0x1F0]  }
0x24c: {  	v24 =	vld [tilespmem:s21+$0x1F0]  }
.Ltmp0:
0x24d: {  	(pc) =	sbr.rel @p0 .LBB2_2-.Ltmp0, $3  }
0x24e: {  	v17 =	vmul.f32 v19, v17;
	v20 =	vmul.f32 v20, v21  }
0x24f: {  	v18 =	vmul.f32 v22, v18;
	_ =	sdelay $0x1  }
0x250: {  	v19 =	vadd.f32 v20, v18;
	v18 =	vmul.f32 v24, v23  }
0x251: {  	_ = 	snop  }
0x252: {  	v17 =	vadd.f32 v17, v19;
	_ =	sdelay $0x1  }
0x253: {  	v17 =	vadd.f32 v18, v17;
	_ =	sdelay $0x1  }
0x254: {  	s20 =	sshra.s32 s24, $0x2;
	[tilespmem:$0x10900] =	vst v17  }
0x255: {  	v17 =	vld [tilespmem:s20+$0x10400];
	_ =	sdelay $0x1  }
0x256: {  	v52 =	vld [tilespmem:s20+$0x10600];
	_ =	sdelay $0x1  }
0x257: {  	v53 =	vld.idx.msk [tilespmem:v0+s16+$0x0], $0xffff  }
0x258: {  	v16 =	vadd.f32 v17, v16  }
0x259: {  	v17 =	vld.idx.msk [tilespmem:v1+s16+$0x0], $0xffff  }
0x25a: {  	v16 =	vadd.f32 v52, v16  }
0x25b: {  	v54 =	vld.idx.msk [tilespmem:v2+s16+$0x0], $0xffff  }
0x25c: {  	v16 =	vadd.f32 v53, v16  }
0x25d: {  	v55 =	vld.idx.msk [tilespmem:v3+s16+$0x0], $0xffff  }
0x25e: {  	v16 =	vadd.f32 v17, v16  }
0x25f: {  	v17 =	vld.idx.msk [tilespmem:v4+s16+$0x0], $0xffff  }
0x260: {  	v16 =	vadd.f32 v54, v16  }
0x261: {  	v56 =	vld.idx.msk [tilespmem:v5+s16+$0x0], $0xffff  }
0x262: {  	v16 =	vadd.f32 v55, v16  }
0x263: {  	v57 =	vld.idx.msk [tilespmem:v6+s16+$0x0], $0xffff  }
0x264: {  	v16 =	vadd.f32 v17, v16  }
0x265: {  	v17 =	vld.idx.msk [tilespmem:v7+s16+$0x0], $0xffff  }
0x266: {  	v16 =	vadd.f32 v56, v16  }
0x267: {  	v58 =	vld.idx.msk [tilespmem:v8+s16+$0x0], $0xffff  }
0x268: {  	v16 =	vadd.f32 v57, v16  }
0x269: {  	v59 =	vld.idx.msk [tilespmem:v9+s16+$0x0], $0xffff  }
0x26a: {  	v16 =	vadd.f32 v17, v16  }
0x26b: {  	v17 =	vld.idx.msk [tilespmem:v10+s16+$0x0], $0xffff  }
0x26c: {  	v16 =	vadd.f32 v58, v16  }
0x26d: {  	v60 =	vld.idx.msk [tilespmem:v11+s16+$0x0], $0xffff  }
0x26e: {  	v16 =	vadd.f32 v59, v16  }
0x26f: {  	v61 =	vld.idx.msk [tilespmem:v12+s16+$0x0], $0xffff  }
0x270: {  	v16 =	vadd.f32 v17, v16  }
0x271: {  	v17 =	vld.idx.msk [tilespmem:v13+s16+$0x0], $0xffff  }
0x272: {  	v16 =	vadd.f32 v60, v16  }
0x273: {  	v62 =	vld.idx.msk [tilespmem:v14+s16+$0x0], $0xffff  }
0x274: {  	v16 =	vadd.f32 v61, v16  }
0x275: {  	v63 =	vld.idx.msk [tilespmem:v15+s16+$0x0], $0xffff  }
0x276: {  	v16 =	vadd.f32 v17, v16;
	_ =	sdelay $0x1  }
0x277: {  	v16 =	vadd.f32 v62, v16;
	_ =	sdelay $0x1  }
0x278: {  	s18 =	sadd.s32 $0x1, s18;
	v16 =	vadd.f32 v63, v16  }
0x279: {  	p0 =	sne.s32 s18, s9  }
.Ltmp1:
0x27a: {  	[tilespmem:s20+$0x10910] =	vst v16;
	(pc) =	sbr.rel @p0 .LBB2_1-.Ltmp1, $4  }
0x27b: {  	[hbm4b:s8+s1] =	stream.linear.scatter [tilespmem:s17], [sflag:$0x2], $0x200, $0x38;
	[tilespmem:$0x10B10] =	vst v63  }
0x27c: {  	_ =	swait.ge [sflag:s10], $0x200  }
0x27d: {  	[sflag:s10] =	ssyncset.done $0x0  }
0x27e: {  	[sflag:s10] =	ssyncadd.s32 $0xFFFFFE00  }
0x27f: {  	_ =	sfence.sel $0x180000  }
0x280: {  	[bflag:$0x0] =	sbarrier.arrive $0xFFFF  }
0x281: {  	_ =	strace $0x90000047  }
0x282: {  	s0 =	stileid.u32;
	[bflag:$0x2] =	sbarrier.arrive $0xFFFF  }
0x283: {  	p0 =	sne.s32 s0, $0x0;
	s0 =	rddreg [dreg:$0x4]  }
0x284: {  	s0 =	sadd.s32 @!p0 $0x100000, s0  }
0x285: {  	[sflag:s0] =	ssyncadd.tile.s32 @!p0 $0x1;
	_ =	shalt  }
.Lfunc_end2:
_tile_overlayer_lowered:
.L_overlay_start_2:
0x286: {  	(tag) =	ssettag $0x2  }
0x287: {  	s0 =	rddreg [dreg:$0x0];
	s2 =	stileid.u32  }
0x288: {  	s1 =	rddreg [dreg:$0x1];
	p0 =	sne.s32 s2, $0x0  }
0x289: {  	s3 =	rddreg [dreg:$0x2];
	[bflag:$0x3] =	sbarrier.arrive $0xFFFF;
	s2 =	simm.s32 @!p0 $0x1C02  }
0x28a: {  	[timem:s3], [sflag:s2] =	dma.local @!p0 [hbm:s0], s1  }
0x28b: {  	s0 =	simm.s32 @!p0 $0x2  }
0x28c: {  	_ =	swait.ge @!p0 [sflag:s0], s1  }
0x28d: {  	s1 =	ssub.s32 @!p0 $0x0, s1;
	[sflag:s0] =	ssyncset.done @!p0 $0x0  }
0x28e: {  	[sflag:s0] =	ssyncadd.s32 @!p0 s1  }
0x28f: {  	[bflag:$0x3] =	sbarrier.arrive $0xFFFF  }
0x290: {  	_ =	shalt  }

</sc_bundles>
